<compile_context>
chip_gen: v7x
topology: tpu7x:2x2x1
jax: 0.10.2.dev20260603
libtpu: 0.0.44.dev20260713+nightly
codegen_flags: <defaults>
</compile_context>

<pallas_src>
import jax
import jax.numpy as jnp
from jax import lax
from jax.experimental import pallas as pl
from jax.experimental.pallas import tpu as pltpu
from jax.experimental.pallas import tpu_sc as plsc

VOCAB = 9487
BATCH = 4096
SEQ = 20
N_IMG = 1024
MAX_CAPS = 5

NW = 32
ROWS_W = BATCH // NW
IMGS_W = N_IMG // NW
SEQ_ELEMS_W = ROWS_W * SEQ
GT_ELEMS_W = IMGS_W * MAX_CAPS * SEQ
TOK_PAD = 9488
ST_PAD = 1024


def _sc_body(gtx, gbn, gvi, rtx, rbn, rvi, gt, ncap_h, st, tok,
             rew_out, ps_out,
             tok_v, st_v, gtx_v, gbn_v, gvi_v, rtx_v, rbn_v, rvi_v,
             gt_v, ncap_v, gimg_v, rew_v, acc_v, sem):
    wid = lax.axis_index("s") * 2 + lax.axis_index("c")
    sbase = wid * SEQ_ELEMS_W

    copies = [
        pltpu.async_copy(tok, tok_v, sem),
        pltpu.async_copy(st, st_v, sem),
        pltpu.async_copy(gtx.at[pl.ds(sbase, SEQ_ELEMS_W)], gtx_v, sem),
        pltpu.async_copy(gbn.at[pl.ds(sbase, SEQ_ELEMS_W)], gbn_v, sem),
        pltpu.async_copy(gvi.at[pl.ds(sbase, SEQ_ELEMS_W)], gvi_v, sem),
        pltpu.async_copy(rtx.at[pl.ds(sbase, SEQ_ELEMS_W)], rtx_v, sem),
        pltpu.async_copy(rbn.at[pl.ds(sbase, SEQ_ELEMS_W)], rbn_v, sem),
        pltpu.async_copy(rvi.at[pl.ds(sbase, SEQ_ELEMS_W)], rvi_v, sem),
        pltpu.async_copy(gt.at[pl.ds(wid * GT_ELEMS_W, GT_ELEMS_W)], gt_v, sem),
        pltpu.async_copy(ncap_h.at[pl.ds(wid * IMGS_W, IMGS_W)], ncap_v, sem),
    ]
    for c in copies:
        c.wait()

    iota = lax.iota(jnp.int32, 16)
    zero16 = jnp.zeros((16,), jnp.float32)

    for grp in range(IMGS_W // 16):
        ncap_i = ncap_v[pl.ds(grp * 16, 16)]
        ioff = iota * (MAX_CAPS * SEQ) + grp * 16 * (MAX_CAPS * SEQ)

        def cap_body(c, gsum):
            def t_body(t, carry):
                s, cnt = carry
                tid = plsc.load_gather(gt_v, [ioff + (c * SEQ + t)])
                ts = plsc.load_gather(tok_v, [tid])
                valid = tid != 0
                s = s + jnp.where(valid, ts, 0.0)
                cnt = cnt + jnp.where(valid, 1.0, 0.0)
                return s, cnt

            s, cnt = lax.fori_loop(0, SEQ, t_body, (zero16, zero16))
            cap_score = s / jnp.maximum(cnt, 1.0)
            return gsum + jnp.where(c < ncap_i, cap_score, 0.0)

        gsum = lax.fori_loop(0, MAX_CAPS, cap_body, zero16)
        gimg_v[pl.ds(grp * 16, 16)] = gsum / ncap_i.astype(jnp.float32)

    acc_v[...] = zero16

    @pl.loop(0, ROWS_W // 16)
    def _(g):
        rbase = g * 16 * SEQ

        def seq_score(txt_v, bn_v, vis_v):
            def t_body(t, carry):
                s, cnt = carry
                idx = iota * SEQ + rbase + t
                txt = plsc.load_gather(txt_v, [idx])
                bn = plsc.load_gather(bn_v, [idx])
                vis = plsc.load_gather(vis_v, [idx])
                mapped = plsc.load_gather(st_v, [vis * 2 + bn - 1])
                res = jnp.where(txt < VOCAB, txt, mapped)
                ts = plsc.load_gather(tok_v, [res])
                valid = res != 0
                s = s + jnp.where(valid, ts, 0.0)
                cnt = cnt + jnp.where(valid, 1.0, 0.0)
                return s, cnt

            s, cnt = lax.fori_loop(0, SEQ, t_body, (zero16, zero16))
            return s / jnp.maximum(cnt, 1.0)

        gen_s = seq_score(gtx_v, gbn_v, gvi_v)
        gre_s = seq_score(rtx_v, rbn_v, rvi_v)
        gtv = plsc.load_gather(gimg_v, [(g * 16 + iota) // 4])
        score = (gen_s - gre_s) * gtv
        acc_v[...] = acc_v[...] + score

        @pl.loop(0, SEQ)
        def _(t):
            plsc.store_scatter(rew_v, [iota * SEQ + rbase + t], score)

    pltpu.async_copy(rew_v, rew_out.at[pl.ds(sbase, SEQ_ELEMS_W)], sem).wait()
    pltpu.async_copy(acc_v, ps_out.at[wid], sem).wait()


def _mean_body(ps_ref, o_ref):
    o_ref[...] = jnp.full((1, 1), jnp.sum(ps_ref[...]) * (1.0 / BATCH),
                          jnp.float32)


@jax.jit
def kernel(gen_txt_seq, gen_bn_seq, gen_vis_seq, greedy_txt_seq,
           greedy_bn_seq, greedy_vis_seq, gt_gts, ncap, st2towidx,
           token_scores):
    i32 = jnp.int32
    gtx = gen_txt_seq.astype(i32).reshape(-1)
    gbn = gen_bn_seq.astype(i32).reshape(-1)
    gvi = gen_vis_seq.astype(i32).reshape(-1)
    rtx = greedy_txt_seq.astype(i32).reshape(-1)
    rbn = greedy_bn_seq.astype(i32).reshape(-1)
    rvi = greedy_vis_seq.astype(i32).reshape(-1)
    gt = gt_gts.astype(i32).reshape(-1)
    ncap_i = ncap.astype(i32)
    st = jnp.pad(st2towidx.astype(i32), (0, ST_PAD - st2towidx.shape[0]))
    tok = jnp.pad(token_scores.astype(jnp.float32),
                  (0, TOK_PAD - token_scores.shape[0]))

    mesh = plsc.VectorSubcoreMesh(core_axis_name="c", subcore_axis_name="s",
                                  num_cores=2, num_subcores=16)
    sc = pl.kernel(
        _sc_body,
        out_type=(jax.ShapeDtypeStruct((BATCH * SEQ,), jnp.float32),
                  jax.ShapeDtypeStruct((NW, 16), jnp.float32)),
        mesh=mesh,
        compiler_params=pltpu.CompilerParams(needs_layout_passes=False),
        scratch_types=[
            pltpu.VMEM((TOK_PAD,), jnp.float32),
            pltpu.VMEM((ST_PAD,), i32),
            pltpu.VMEM((SEQ_ELEMS_W,), i32),
            pltpu.VMEM((SEQ_ELEMS_W,), i32),
            pltpu.VMEM((SEQ_ELEMS_W,), i32),
            pltpu.VMEM((SEQ_ELEMS_W,), i32),
            pltpu.VMEM((SEQ_ELEMS_W,), i32),
            pltpu.VMEM((SEQ_ELEMS_W,), i32),
            pltpu.VMEM((GT_ELEMS_W,), i32),
            pltpu.VMEM((IMGS_W,), i32),
            pltpu.VMEM((IMGS_W,), jnp.float32),
            pltpu.VMEM((SEQ_ELEMS_W,), jnp.float32),
            pltpu.VMEM((16,), jnp.float32),
            pltpu.SemaphoreType.DMA,
        ],
    )
    rew_flat, psum = sc(gtx, gbn, gvi, rtx, rbn, rvi, gt, ncap_i, st, tok)

    mean_arr = pl.pallas_call(
        _mean_body,
        out_shape=jax.ShapeDtypeStruct((1, 1), jnp.float32),
    )(psum)

    return rew_flat.reshape(BATCH, SEQ), mean_arr[0, 0]

# --- scband reference (transcript-rebuilt; emitter-appended) ---
"""Pipeline reference for scband-get-self-critical-reward-18889266167956 (READ-ONLY COPY).

The authoritative reference and input builder live on the scoring server;
editing this copy changes nothing except your own understanding.
"""

import jax, jax.numpy as jnp
import numpy as np

VOCAB_SIZE = 9487
BATCH = 4096
SEQ = 20
N_IMG = 1024
MAX_CAPS = 5
ST2T_SIZE = 1000


def setup_inputs(seed: int = 0) -> dict:
    key = jax.random.key(seed)
    ks = jax.random.split(key, 10)
    gen_txt_seq = jax.random.randint(ks[0], (BATCH, SEQ), 0, VOCAB_SIZE + 500)
    gen_bn_seq = jax.random.randint(ks[1], (BATCH, SEQ), 1, 3)
    gen_vis_seq = jax.random.randint(ks[2], (BATCH, SEQ), 0, ST2T_SIZE // 2)
    greedy_txt_seq = jax.random.randint(ks[3], (BATCH, SEQ), 0, VOCAB_SIZE + 500)
    greedy_bn_seq = jax.random.randint(ks[4], (BATCH, SEQ), 1, 3)
    greedy_vis_seq = jax.random.randint(ks[5], (BATCH, SEQ), 0, ST2T_SIZE // 2)
    gt_gts = jax.random.randint(ks[6], (N_IMG, MAX_CAPS, SEQ), 0, VOCAB_SIZE)
    ncap = jax.random.randint(ks[7], (N_IMG,), 1, MAX_CAPS + 1)
    st2towidx = jax.random.randint(ks[8], (ST2T_SIZE,), 0, VOCAB_SIZE)
    token_scores = jax.random.normal(ks[9], (VOCAB_SIZE,), dtype=jnp.float32)
    return {
        'gen_txt_seq': gen_txt_seq, 'gen_bn_seq': gen_bn_seq, 'gen_vis_seq': gen_vis_seq,
        'greedy_txt_seq': greedy_txt_seq, 'greedy_bn_seq': greedy_bn_seq, 'greedy_vis_seq': greedy_vis_seq,
        'gt_gts': gt_gts, 'ncap': ncap, 'st2towidx': st2towidx, 'token_scores': token_scores,
    }


def reference(gen_txt_seq, gen_bn_seq, gen_vis_seq, greedy_txt_seq, greedy_bn_seq, greedy_vis_seq, gt_gts, ncap, st2towidx, token_scores):
    batch_size = gen_txt_seq.shape[0]
    seq_per_img = batch_size // gt_gts.shape[0]

    def build_result(txt, bn, vis):
        # masked scatter: keep txt tokens < vocab_size; for visual-word slots,
        # gather mapped word id from st2towidx at index vis*2 + bn - 1
        mask = txt < VOCAB_SIZE
        vis_idx = vis * 2 + bn - 1
        mapped = jnp.take(st2towidx, vis_idx, axis=0)
        return jnp.where(mask, txt, mapped)

    gen_result = build_result(gen_txt_seq, gen_bn_seq, gen_vis_seq)
    greedy_result = build_result(greedy_txt_seq, greedy_bn_seq, greedy_vis_seq)

    def seq_score(res):
        # differentiable token-score proxy for the (string-based) CiderD scorer:
        # mean per-token score over non-pad (nonzero) tokens
        valid = (res != 0).astype(jnp.float32)
        ts = jnp.take(token_scores, res, axis=0)
        return jnp.sum(ts * valid, axis=-1) / jnp.maximum(jnp.sum(valid, axis=-1), 1.0)

    gen_s = seq_score(gen_result)
    greedy_s = seq_score(greedy_result)

    # per-image ground-truth score, masked by ncap valid captions
    gt_valid = (gt_gts != 0).astype(jnp.float32)
    gt_ts = jnp.take(token_scores, gt_gts, axis=0)
    cap_score = jnp.sum(gt_ts * gt_valid, axis=-1) / jnp.maximum(jnp.sum(gt_valid, axis=-1), 1.0)
    cap_mask = (jnp.arange(MAX_CAPS)[None, :] < ncap[:, None]).astype(jnp.float32)
    gt_img = jnp.sum(cap_score * cap_mask, axis=1) / ncap.astype(jnp.float32)
    gt_rep = jnp.repeat(gt_img, seq_per_img)

    # self-critical reward: sampled score minus greedy baseline (vs gt reference)
    scores = gen_s * gt_rep - greedy_s * gt_rep
    rewards = jnp.repeat(scores[:, None], gen_result.shape[1], axis=1)
    return (rewards, jnp.mean(scores))

if __name__ == "__main__":
    import jax
    _d = setup_inputs()
    print(jax.jit(kernel)(*tuple(_d.values())))

</pallas_src>

<mosaic_0001>
#map = affine_map<(d0, d1) -> (0)>
#map1 = affine_map<(d0, d1) -> (0, 0)>
module attributes {stable_mosaic.version = 14 : i64} {
  func.func @_sc_body(%arg0: i32, %arg1: i32, %arg2: memref<81920xi32, #tpu.memory_space<hbm>>, %arg3: memref<81920xi32, #tpu.memory_space<hbm>>, %arg4: memref<81920xi32, #tpu.memory_space<hbm>>, %arg5: memref<81920xi32, #tpu.memory_space<hbm>>, %arg6: memref<81920xi32, #tpu.memory_space<hbm>>, %arg7: memref<81920xi32, #tpu.memory_space<hbm>>, %arg8: memref<102400xi32, #tpu.memory_space<hbm>>, %arg9: memref<1024xi32, #tpu.memory_space<hbm>>, %arg10: memref<1024xi32, #tpu.memory_space<hbm>>, %arg11: memref<9488xf32, #tpu.memory_space<hbm>>, %arg12: memref<81920xf32, #tpu.memory_space<hbm>>, %arg13: memref<32x16xf32, #tpu.memory_space<hbm>>, %arg14: memref<9488xf32, #tpu.memory_space<vmem>>, %arg15: memref<1024xi32, #tpu.memory_space<vmem>>, %arg16: memref<2560xi32, #tpu.memory_space<vmem>>, %arg17: memref<2560xi32, #tpu.memory_space<vmem>>, %arg18: memref<2560xi32, #tpu.memory_space<vmem>>, %arg19: memref<2560xi32, #tpu.memory_space<vmem>>, %arg20: memref<2560xi32, #tpu.memory_space<vmem>>, %arg21: memref<2560xi32, #tpu.memory_space<vmem>>, %arg22: memref<3200xi32, #tpu.memory_space<vmem>>, %arg23: memref<32xi32, #tpu.memory_space<vmem>>, %arg24: memref<32xf32, #tpu.memory_space<vmem>>, %arg25: memref<2560xf32, #tpu.memory_space<vmem>>, %arg26: memref<16xf32, #tpu.memory_space<vmem>>, %arg27: memref<!tpu.dma_semaphore, #tpu.memory_space<semaphore_mem>>) attributes {dimension_semantics = [#tpu.dimension_semantics<core_parallel>, #tpu.dimension_semantics<subcore_parallel>], iteration_bounds = array<i64: 2, 16>, scalar_prefetch = 0 : i64, scratch_operands = 14 : i64, tpu.core_type = #tpu.core_type<sc_vector_subcore>, window_params = [{transform_indices = #map}, {transform_indices = #map}, {transform_indices = #map}, {transform_indices = #map}, {transform_indices = #map}, {transform_indices = #map}, {transform_indices = #map}, {transform_indices = #map}, {transform_indices = #map}, {transform_indices = #map}, {transform_indices = #map}, {transform_indices = #map1}]} {
    %mul3A = arith.constant 2 : i32
    %mul3A_0 = arith.muli %arg1, %mul3A : i32
    %add3A = arith.addi %mul3A_0, %arg0 : i32
    %mul3A_1 = arith.constant 2560 : i32
    %mul3A_2 = arith.muli %add3A, %mul3A_1 : i32
    tpu.enqueue_dma source(%arg11 : memref<9488xf32, #tpu.memory_space<hbm>>) target(%arg14 : memref<9488xf32, #tpu.memory_space<vmem>>) target_semaphore(%arg27 : memref<!tpu.dma_semaphore, #tpu.memory_space<semaphore_mem>>)
    tpu.enqueue_dma source(%arg10 : memref<1024xi32, #tpu.memory_space<hbm>>) target(%arg15 : memref<1024xi32, #tpu.memory_space<vmem>>) target_semaphore(%arg27 : memref<!tpu.dma_semaphore, #tpu.memory_space<semaphore_mem>>)
    %dma_start3A = tpu.memref_slice %arg2[%mul3A_2] : memref<81920xi32, #tpu.memory_space<hbm>> -> memref<2560xi32, #tpu.memory_space<hbm>>
    %dma_start3A_3 = tpu.memref_slice %arg2[%mul3A_2] : memref<81920xi32, #tpu.memory_space<hbm>> -> memref<2560xi32, #tpu.memory_space<hbm>>
    tpu.enqueue_dma source(%dma_start3A_3 : memref<2560xi32, #tpu.memory_space<hbm>>) target(%arg16 : memref<2560xi32, #tpu.memory_space<vmem>>) target_semaphore(%arg27 : memref<!tpu.dma_semaphore, #tpu.memory_space<semaphore_mem>>)
    %dma_start3A_4 = tpu.memref_slice %arg3[%mul3A_2] : memref<81920xi32, #tpu.memory_space<hbm>> -> memref<2560xi32, #tpu.memory_space<hbm>>
    %dma_start3A_5 = tpu.memref_slice %arg3[%mul3A_2] : memref<81920xi32, #tpu.memory_space<hbm>> -> memref<2560xi32, #tpu.memory_space<hbm>>
    tpu.enqueue_dma source(%dma_start3A_5 : memref<2560xi32, #tpu.memory_space<hbm>>) target(%arg17 : memref<2560xi32, #tpu.memory_space<vmem>>) target_semaphore(%arg27 : memref<!tpu.dma_semaphore, #tpu.memory_space<semaphore_mem>>)
    %dma_start3A_6 = tpu.memref_slice %arg4[%mul3A_2] : memref<81920xi32, #tpu.memory_space<hbm>> -> memref<2560xi32, #tpu.memory_space<hbm>>
    %dma_start3A_7 = tpu.memref_slice %arg4[%mul3A_2] : memref<81920xi32, #tpu.memory_space<hbm>> -> memref<2560xi32, #tpu.memory_space<hbm>>
    tpu.enqueue_dma source(%dma_start3A_7 : memref<2560xi32, #tpu.memory_space<hbm>>) target(%arg18 : memref<2560xi32, #tpu.memory_space<vmem>>) target_semaphore(%arg27 : memref<!tpu.dma_semaphore, #tpu.memory_space<semaphore_mem>>)
    %dma_start3A_8 = tpu.memref_slice %arg5[%mul3A_2] : memref<81920xi32, #tpu.memory_space<hbm>> -> memref<2560xi32, #tpu.memory_space<hbm>>
    %dma_start3A_9 = tpu.memref_slice %arg5[%mul3A_2] : memref<81920xi32, #tpu.memory_space<hbm>> -> memref<2560xi32, #tpu.memory_space<hbm>>
    tpu.enqueue_dma source(%dma_start3A_9 : memref<2560xi32, #tpu.memory_space<hbm>>) target(%arg19 : memref<2560xi32, #tpu.memory_space<vmem>>) target_semaphore(%arg27 : memref<!tpu.dma_semaphore, #tpu.memory_space<semaphore_mem>>)
    %dma_start3A_10 = tpu.memref_slice %arg6[%mul3A_2] : memref<81920xi32, #tpu.memory_space<hbm>> -> memref<2560xi32, #tpu.memory_space<hbm>>
    %dma_start3A_11 = tpu.memref_slice %arg6[%mul3A_2] : memref<81920xi32, #tpu.memory_space<hbm>> -> memref<2560xi32, #tpu.memory_space<hbm>>
    tpu.enqueue_dma source(%dma_start3A_11 : memref<2560xi32, #tpu.memory_space<hbm>>) target(%arg20 : memref<2560xi32, #tpu.memory_space<vmem>>) target_semaphore(%arg27 : memref<!tpu.dma_semaphore, #tpu.memory_space<semaphore_mem>>)
    %dma_start3A_12 = tpu.memref_slice %arg7[%mul3A_2] : memref<81920xi32, #tpu.memory_space<hbm>> -> memref<2560xi32, #tpu.memory_space<hbm>>
    %dma_start3A_13 = tpu.memref_slice %arg7[%mul3A_2] : memref<81920xi32, #tpu.memory_space<hbm>> -> memref<2560xi32, #tpu.memory_space<hbm>>
    tpu.enqueue_dma source(%dma_start3A_13 : memref<2560xi32, #tpu.memory_space<hbm>>) target(%arg21 : memref<2560xi32, #tpu.memory_space<vmem>>) target_semaphore(%arg27 : memref<!tpu.dma_semaphore, #tpu.memory_space<semaphore_mem>>)
    %mul3A_14 = arith.constant 3200 : i32
    %mul3A_15 = arith.muli %add3A, %mul3A_14 : i32
    %dma_start3A_16 = tpu.memref_slice %arg8[%mul3A_15] : memref<102400xi32, #tpu.memory_space<hbm>> -> memref<3200xi32, #tpu.memory_space<hbm>>
    %dma_start3A_17 = tpu.memref_slice %arg8[%mul3A_15] : memref<102400xi32, #tpu.memory_space<hbm>> -> memref<3200xi32, #tpu.memory_space<hbm>>
    tpu.enqueue_dma source(%dma_start3A_17 : memref<3200xi32, #tpu.memory_space<hbm>>) target(%arg22 : memref<3200xi32, #tpu.memory_space<vmem>>) target_semaphore(%arg27 : memref<!tpu.dma_semaphore, #tpu.memory_space<semaphore_mem>>)
    %mul3A_18 = arith.constant 32 : i32
    %mul3A_19 = arith.muli %add3A, %mul3A_18 : i32
    %dma_start3A_20 = tpu.memref_slice %arg9[%mul3A_19] : memref<1024xi32, #tpu.memory_space<hbm>> -> memref<32xi32, #tpu.memory_space<hbm>>
    %dma_start3A_21 = tpu.memref_slice %arg9[%mul3A_19] : memref<1024xi32, #tpu.memory_space<hbm>> -> memref<32xi32, #tpu.memory_space<hbm>>
    tpu.enqueue_dma source(%dma_start3A_21 : memref<32xi32, #tpu.memory_space<hbm>>) target(%arg23 : memref<32xi32, #tpu.memory_space<vmem>>) target_semaphore(%arg27 : memref<!tpu.dma_semaphore, #tpu.memory_space<semaphore_mem>>)
    tpu.wait_dma2 semaphore(%arg27 : memref<!tpu.dma_semaphore, #tpu.memory_space<semaphore_mem>>) src(%arg11 : memref<9488xf32, #tpu.memory_space<hbm>>) dst(%arg14 : memref<9488xf32, #tpu.memory_space<vmem>>)
    tpu.wait_dma2 semaphore(%arg27 : memref<!tpu.dma_semaphore, #tpu.memory_space<semaphore_mem>>) src(%arg10 : memref<1024xi32, #tpu.memory_space<hbm>>) dst(%arg15 : memref<1024xi32, #tpu.memory_space<vmem>>)
    %dma_wait3A = tpu.memref_slice %arg2[%mul3A_2] : memref<81920xi32, #tpu.memory_space<hbm>> -> memref<2560xi32, #tpu.memory_space<hbm>>
    %dma_wait3A_22 = tpu.memref_slice %arg2[%mul3A_2] : memref<81920xi32, #tpu.memory_space<hbm>> -> memref<2560xi32, #tpu.memory_space<hbm>>
    tpu.wait_dma2 semaphore(%arg27 : memref<!tpu.dma_semaphore, #tpu.memory_space<semaphore_mem>>) src(%dma_wait3A_22 : memref<2560xi32, #tpu.memory_space<hbm>>) dst(%arg16 : memref<2560xi32, #tpu.memory_space<vmem>>)
    %dma_wait3A_23 = tpu.memref_slice %arg3[%mul3A_2] : memref<81920xi32, #tpu.memory_space<hbm>> -> memref<2560xi32, #tpu.memory_space<hbm>>
    %dma_wait3A_24 = tpu.memref_slice %arg3[%mul3A_2] : memref<81920xi32, #tpu.memory_space<hbm>> -> memref<2560xi32, #tpu.memory_space<hbm>>
    tpu.wait_dma2 semaphore(%arg27 : memref<!tpu.dma_semaphore, #tpu.memory_space<semaphore_mem>>) src(%dma_wait3A_24 : memref<2560xi32, #tpu.memory_space<hbm>>) dst(%arg17 : memref<2560xi32, #tpu.memory_space<vmem>>)
    %dma_wait3A_25 = tpu.memref_slice %arg4[%mul3A_2] : memref<81920xi32, #tpu.memory_space<hbm>> -> memref<2560xi32, #tpu.memory_space<hbm>>
    %dma_wait3A_26 = tpu.memref_slice %arg4[%mul3A_2] : memref<81920xi32, #tpu.memory_space<hbm>> -> memref<2560xi32, #tpu.memory_space<hbm>>
    tpu.wait_dma2 semaphore(%arg27 : memref<!tpu.dma_semaphore, #tpu.memory_space<semaphore_mem>>) src(%dma_wait3A_26 : memref<2560xi32, #tpu.memory_space<hbm>>) dst(%arg18 : memref<2560xi32, #tpu.memory_space<vmem>>)
    %dma_wait3A_27 = tpu.memref_slice %arg5[%mul3A_2] : memref<81920xi32, #tpu.memory_space<hbm>> -> memref<2560xi32, #tpu.memory_space<hbm>>
    %dma_wait3A_28 = tpu.memref_slice %arg5[%mul3A_2] : memref<81920xi32, #tpu.memory_space<hbm>> -> memref<2560xi32, #tpu.memory_space<hbm>>
    tpu.wait_dma2 semaphore(%arg27 : memref<!tpu.dma_semaphore, #tpu.memory_space<semaphore_mem>>) src(%dma_wait3A_28 : memref<2560xi32, #tpu.memory_space<hbm>>) dst(%arg19 : memref<2560xi32, #tpu.memory_space<vmem>>)
    %dma_wait3A_29 = tpu.memref_slice %arg6[%mul3A_2] : memref<81920xi32, #tpu.memory_space<hbm>> -> memref<2560xi32, #tpu.memory_space<hbm>>
    %dma_wait3A_30 = tpu.memref_slice %arg6[%mul3A_2] : memref<81920xi32, #tpu.memory_space<hbm>> -> memref<2560xi32, #tpu.memory_space<hbm>>
    tpu.wait_dma2 semaphore(%arg27 : memref<!tpu.dma_semaphore, #tpu.memory_space<semaphore_mem>>) src(%dma_wait3A_30 : memref<2560xi32, #tpu.memory_space<hbm>>) dst(%arg20 : memref<2560xi32, #tpu.memory_space<vmem>>)
    %dma_wait3A_31 = tpu.memref_slice %arg7[%mul3A_2] : memref<81920xi32, #tpu.memory_space<hbm>> -> memref<2560xi32, #tpu.memory_space<hbm>>
    %dma_wait3A_32 = tpu.memref_slice %arg7[%mul3A_2] : memref<81920xi32, #tpu.memory_space<hbm>> -> memref<2560xi32, #tpu.memory_space<hbm>>
    tpu.wait_dma2 semaphore(%arg27 : memref<!tpu.dma_semaphore, #tpu.memory_space<semaphore_mem>>) src(%dma_wait3A_32 : memref<2560xi32, #tpu.memory_space<hbm>>) dst(%arg21 : memref<2560xi32, #tpu.memory_space<vmem>>)
    %dma_wait3A_33 = tpu.memref_slice %arg8[%mul3A_15] : memref<102400xi32, #tpu.memory_space<hbm>> -> memref<3200xi32, #tpu.memory_space<hbm>>
    %dma_wait3A_34 = tpu.memref_slice %arg8[%mul3A_15] : memref<102400xi32, #tpu.memory_space<hbm>> -> memref<3200xi32, #tpu.memory_space<hbm>>
    tpu.wait_dma2 semaphore(%arg27 : memref<!tpu.dma_semaphore, #tpu.memory_space<semaphore_mem>>) src(%dma_wait3A_34 : memref<3200xi32, #tpu.memory_space<hbm>>) dst(%arg22 : memref<3200xi32, #tpu.memory_space<vmem>>)
    %dma_wait3A_35 = tpu.memref_slice %arg9[%mul3A_19] : memref<1024xi32, #tpu.memory_space<hbm>> -> memref<32xi32, #tpu.memory_space<hbm>>
    %dma_wait3A_36 = tpu.memref_slice %arg9[%mul3A_19] : memref<1024xi32, #tpu.memory_space<hbm>> -> memref<32xi32, #tpu.memory_space<hbm>>
    tpu.wait_dma2 semaphore(%arg27 : memref<!tpu.dma_semaphore, #tpu.memory_space<semaphore_mem>>) src(%dma_wait3A_36 : memref<32xi32, #tpu.memory_space<hbm>>) dst(%arg23 : memref<32xi32, #tpu.memory_space<vmem>>)
    %iota3A = tpu.iota {dimensions = array<i32: 0>} : vector<16xi32>
    %broadcast_in_dim3A = arith.constant 0.000000e+00 : f32
    %broadcast_in_dim3A_37 = vector.broadcast %broadcast_in_dim3A : f32 to vector<16xf32>
    %get3A = arith.constant 0 : index
    %get3A_38 = tpu.vector_load %arg23[%get3A] {strides = array<i32>} : memref<32xi32, #tpu.memory_space<vmem>>, vector<16xi32>,
    %mul3A_39 = arith.constant 100 : i32
    %mul3A_40 = vector.broadcast %mul3A_39 : i32 to vector<16xi32>
    %mul3A_41 = arith.muli %iota3A, %mul3A_40 : vector<16xi32>
    %add3A_42 = arith.constant 0 : i32
    %add3A_43 = vector.broadcast %add3A_42 : i32 to vector<16xi32>
    %add3A_44 = arith.addi %mul3A_41, %add3A_43 : vector<16xi32>
    %scan3A = arith.constant 0 : i32
    %scan3A_45 = arith.constant 5 : i32
    %scan3A_46 = arith.addi %scan3A, %scan3A_45 : i32
    %scan3A_47 = arith.constant 1 : i32
    %scan3A_48 = scf.for %scan3A_92 = %scan3A to %scan3A_46 step %scan3A_47 iter_args(%scan3A_93 = %broadcast_in_dim3A_37) -> (vector<16xf32>)  : i32 {
      %scan3A_94 = arith.constant 0 : i32
      %scan3A_95 = arith.constant 20 : i32
      %scan3A_96 = arith.addi %scan3A_94, %scan3A_95 : i32
      %scan3A_97 = arith.constant 1 : i32
      %scan3A_98:2 = scf.for %scan3A_106 = %scan3A_94 to %scan3A_96 step %scan3A_97 iter_args(%scan3A_107 = %broadcast_in_dim3A_37, %scan3A_108 = %broadcast_in_dim3A_37) -> (vector<16xf32>, vector<16xf32>)  : i32 {
        %mul3A_109 = arith.constant 20 : i32
        %mul3A_110 = arith.muli %scan3A_92, %mul3A_109 : i32
        %add3A_111 = arith.addi %mul3A_110, %scan3A_106 : i32
        %add3A_112 = vector.broadcast %add3A_111 : i32 to vector<16xi32>
        %add3A_113 = arith.addi %add3A_44, %add3A_112 : vector<16xi32>
        %gather3A = tpu.vector_load_idx %arg22[%add3A_113] : memref<3200xi32, #tpu.memory_space<vmem>>[vector<16xi32>], vector<16xi32>,
        %gather3A_114 = tpu.vector_load_idx %arg14[%gather3A] : memref<9488xf32, #tpu.memory_space<vmem>>[vector<16xi32>], vector<16xf32>,
        %ne3A = arith.constant 0 : i32
        %ne3A_115 = vector.broadcast %ne3A : i32 to vector<16xi32>
        %ne3A_116 = arith.cmpi ne, %gather3A, %ne3A_115 : vector<16xi32>
        %jit3A_117 = arith.constant 0.000000e+00 : f32
        %broadcast_in_dim3A_118 = vector.broadcast %jit3A_117 : f32 to vector<16xf32>
        %select_n3A_119 = arith.select %ne3A_116, %gather3A_114, %broadcast_in_dim3A_118 : vector<16xi1>, vector<16xf32>
        %add3A_120 = arith.addf %scan3A_107, %select_n3A_119 : vector<16xf32>
        %jit3A_121 = arith.constant 1.000000e+00 : f32
        %jit3A_122 = arith.constant 0.000000e+00 : f32
        %broadcast_in_dim3A_123 = vector.broadcast %jit3A_121 : f32 to vector<16xf32>
        %broadcast_in_dim3A_124 = vector.broadcast %jit3A_122 : f32 to vector<16xf32>
        %select_n3A_125 = arith.select %ne3A_116, %broadcast_in_dim3A_123, %broadcast_in_dim3A_124 : vector<16xi1>, vector<16xf32>
        %add3A_126 = arith.addf %scan3A_108, %select_n3A_125 : vector<16xf32>
        scf.yield %add3A_120, %add3A_126 : vector<16xf32>, vector<16xf32>
      }
      %scan3A_99 = arith.constant 20 : i32
      %max3A = arith.constant 1.000000e+00 : f32
      %max3A_100 = vector.broadcast %max3A : f32 to vector<16xf32>
      %max3A_101 = arith.maximumf %scan3A_98#1, %max3A_100 : vector<16xf32>
      %div3A_102 = arith.divf %scan3A_98#0, %max3A_101 : vector<16xf32>
      %lt3A = vector.broadcast %scan3A_92 : i32 to vector<16xi32>
      %lt3A_103 = arith.cmpi slt, %lt3A, %get3A_38 : vector<16xi32>
      %jit3A = arith.constant 0.000000e+00 : f32
      %broadcast_in_dim3A_104 = vector.broadcast %jit3A : f32 to vector<16xf32>
      %select_n3A = arith.select %lt3A_103, %div3A_102, %broadcast_in_dim3A_104 : vector<16xi1>, vector<16xf32>
      %add3A_105 = arith.addf %scan3A_93, %select_n3A : vector<16xf32>
      scf.yield %add3A_105 : vector<16xf32>
    }
    %scan3A_49 = arith.constant 5 : i32
    %convert_element_type3A = arith.sitofp %get3A_38 : vector<16xi32> to vector<16xf32>
    %div3A = arith.divf %scan3A_48, %convert_element_type3A : vector<16xf32>
    %swap3A = arith.constant 0 : index
    %swap3A_50 = tpu.vector_load %arg24[%swap3A] {strides = array<i32>} : memref<32xf32, #tpu.memory_space<vmem>>, vector<16xf32>,
    tpu.vector_store %arg24[%swap3A], %div3A {strides = array<i32>} : memref<32xf32, #tpu.memory_space<vmem>>, vector<16xf32>,
    %get3A_51 = arith.constant 16 : index
    %get3A_52 = tpu.vector_load %arg23[%get3A_51] {strides = array<i32>} : memref<32xi32, #tpu.memory_space<vmem>>, vector<16xi32>,
    %mul3A_53 = arith.constant 100 : i32
    %mul3A_54 = vector.broadcast %mul3A_53 : i32 to vector<16xi32>
    %mul3A_55 = arith.muli %iota3A, %mul3A_54 : vector<16xi32>
    %add3A_56 = arith.constant 1600 : i32
    %add3A_57 = vector.broadcast %add3A_56 : i32 to vector<16xi32>
    %add3A_58 = arith.addi %mul3A_55, %add3A_57 : vector<16xi32>
    %scan3A_59 = arith.constant 0 : i32
    %scan3A_60 = arith.constant 5 : i32
    %scan3A_61 = arith.addi %scan3A_59, %scan3A_60 : i32
    %scan3A_62 = arith.constant 1 : i32
    %scan3A_63 = scf.for %scan3A_92 = %scan3A_59 to %scan3A_61 step %scan3A_62 iter_args(%scan3A_93 = %broadcast_in_dim3A_37) -> (vector<16xf32>)  : i32 {
      %scan3A_94 = arith.constant 0 : i32
      %scan3A_95 = arith.constant 20 : i32
      %scan3A_96 = arith.addi %scan3A_94, %scan3A_95 : i32
      %scan3A_97 = arith.constant 1 : i32
      %scan3A_98:2 = scf.for %scan3A_106 = %scan3A_94 to %scan3A_96 step %scan3A_97 iter_args(%scan3A_107 = %broadcast_in_dim3A_37, %scan3A_108 = %broadcast_in_dim3A_37) -> (vector<16xf32>, vector<16xf32>)  : i32 {
        %mul3A_109 = arith.constant 20 : i32
        %mul3A_110 = arith.muli %scan3A_92, %mul3A_109 : i32
        %add3A_111 = arith.addi %mul3A_110, %scan3A_106 : i32
        %add3A_112 = vector.broadcast %add3A_111 : i32 to vector<16xi32>
        %add3A_113 = arith.addi %add3A_58, %add3A_112 : vector<16xi32>
        %gather3A = tpu.vector_load_idx %arg22[%add3A_113] : memref<3200xi32, #tpu.memory_space<vmem>>[vector<16xi32>], vector<16xi32>,
        %gather3A_114 = tpu.vector_load_idx %arg14[%gather3A] : memref<9488xf32, #tpu.memory_space<vmem>>[vector<16xi32>], vector<16xf32>,
        %ne3A = arith.constant 0 : i32
        %ne3A_115 = vector.broadcast %ne3A : i32 to vector<16xi32>
        %ne3A_116 = arith.cmpi ne, %gather3A, %ne3A_115 : vector<16xi32>
        %jit3A_117 = arith.constant 0.000000e+00 : f32
        %broadcast_in_dim3A_118 = vector.broadcast %jit3A_117 : f32 to vector<16xf32>
        %select_n3A_119 = arith.select %ne3A_116, %gather3A_114, %broadcast_in_dim3A_118 : vector<16xi1>, vector<16xf32>
        %add3A_120 = arith.addf %scan3A_107, %select_n3A_119 : vector<16xf32>
        %jit3A_121 = arith.constant 1.000000e+00 : f32
        %jit3A_122 = arith.constant 0.000000e+00 : f32
        %broadcast_in_dim3A_123 = vector.broadcast %jit3A_121 : f32 to vector<16xf32>
        %broadcast_in_dim3A_124 = vector.broadcast %jit3A_122 : f32 to vector<16xf32>
        %select_n3A_125 = arith.select %ne3A_116, %broadcast_in_dim3A_123, %broadcast_in_dim3A_124 : vector<16xi1>, vector<16xf32>
        %add3A_126 = arith.addf %scan3A_108, %select_n3A_125 : vector<16xf32>
        scf.yield %add3A_120, %add3A_126 : vector<16xf32>, vector<16xf32>
      }
      %scan3A_99 = arith.constant 20 : i32
      %max3A = arith.constant 1.000000e+00 : f32
      %max3A_100 = vector.broadcast %max3A : f32 to vector<16xf32>
      %max3A_101 = arith.maximumf %scan3A_98#1, %max3A_100 : vector<16xf32>
      %div3A_102 = arith.divf %scan3A_98#0, %max3A_101 : vector<16xf32>
      %lt3A = vector.broadcast %scan3A_92 : i32 to vector<16xi32>
      %lt3A_103 = arith.cmpi slt, %lt3A, %get3A_52 : vector<16xi32>
      %jit3A = arith.constant 0.000000e+00 : f32
      %broadcast_in_dim3A_104 = vector.broadcast %jit3A : f32 to vector<16xf32>
      %select_n3A = arith.select %lt3A_103, %div3A_102, %broadcast_in_dim3A_104 : vector<16xi1>, vector<16xf32>
      %add3A_105 = arith.addf %scan3A_93, %select_n3A : vector<16xf32>
      scf.yield %add3A_105 : vector<16xf32>
    }
    %scan3A_64 = arith.constant 5 : i32
    %convert_element_type3A_65 = arith.sitofp %get3A_52 : vector<16xi32> to vector<16xf32>
    %div3A_66 = arith.divf %scan3A_63, %convert_element_type3A_65 : vector<16xf32>
    %swap3A_67 = arith.constant 16 : index
    %swap3A_68 = tpu.vector_load %arg24[%swap3A_67] {strides = array<i32>} : memref<32xf32, #tpu.memory_space<vmem>>, vector<16xf32>,
    tpu.vector_store %arg24[%swap3A_67], %div3A_66 {strides = array<i32>} : memref<32xf32, #tpu.memory_space<vmem>>, vector<16xf32>,
    %swap3A_69 = arith.constant 0 : index
    %swap3A_70 = tpu.vector_load %arg26[%swap3A_69] {strides = array<i32>} : memref<16xf32, #tpu.memory_space<vmem>>, vector<16xf32>,
    tpu.vector_store %arg26[%swap3A_69], %broadcast_in_dim3A_37 {strides = array<i32>} : memref<16xf32, #tpu.memory_space<vmem>>, vector<16xf32>,
    %scan3A_71 = arith.constant 0 : i32
    %scan3A_72 = arith.constant 8 : i32
    %scan3A_73 = arith.addi %scan3A_71, %scan3A_72 : i32
    %scan3A_74 = arith.constant 1 : i32
    scf.for %scan3A_92 = %scan3A_71 to %scan3A_73 step %scan3A_74  : i32 {
      %mul3A_93 = arith.constant 1 : i32
      %mul3A_94 = arith.muli %scan3A_92, %mul3A_93 : i32
      %add3A_95 = arith.constant 0 : i32
      %add3A_96 = arith.addi %add3A_95, %mul3A_94 : i32
      %mul3A_97 = arith.constant 16 : i32
      %mul3A_98 = arith.muli %add3A_96, %mul3A_97 : i32
      %mul3A_99 = arith.constant 20 : i32
      %mul3A_100 = arith.muli %mul3A_98, %mul3A_99 : i32
      %scan3A_101 = arith.constant 0 : i32
      %scan3A_102 = arith.constant 20 : i32
      %scan3A_103 = arith.addi %scan3A_101, %scan3A_102 : i32
      %scan3A_104 = arith.constant 1 : i32
      %scan3A_105:2 = scf.for %scan3A_160 = %scan3A_101 to %scan3A_103 step %scan3A_104 iter_args(%scan3A_161 = %broadcast_in_dim3A_37, %scan3A_162 = %broadcast_in_dim3A_37) -> (vector<16xf32>, vector<16xf32>)  : i32 {
        %mul3A_163 = arith.constant 20 : i32
        %mul3A_164 = vector.broadcast %mul3A_163 : i32 to vector<16xi32>
        %mul3A_165 = arith.muli %iota3A, %mul3A_164 : vector<16xi32>
        %add3A_166 = vector.broadcast %mul3A_100 : i32 to vector<16xi32>
        %add3A_167 = arith.addi %mul3A_165, %add3A_166 : vector<16xi32>
        %add3A_168 = vector.broadcast %scan3A_160 : i32 to vector<16xi32>
        %add3A_169 = arith.addi %add3A_167, %add3A_168 : vector<16xi32>
        %gather3A_170 = tpu.vector_load_idx %arg16[%add3A_169] : memref<2560xi32, #tpu.memory_space<vmem>>[vector<16xi32>], vector<16xi32>,
        %gather3A_171 = tpu.vector_load_idx %arg17[%add3A_169] : memref<2560xi32, #tpu.memory_space<vmem>>[vector<16xi32>], vector<16xi32>,
        %gather3A_172 = tpu.vector_load_idx %arg18[%add3A_169] : memref<2560xi32, #tpu.memory_space<vmem>>[vector<16xi32>], vector<16xi32>,
        %mul3A_173 = arith.constant 2 : i32
        %mul3A_174 = vector.broadcast %mul3A_173 : i32 to vector<16xi32>
        %mul3A_175 = arith.muli %gather3A_172, %mul3A_174 : vector<16xi32>
        %add3A_176 = arith.addi %mul3A_175, %gather3A_171 : vector<16xi32>
        %sub3A_177 = arith.constant 1 : i32
        %sub3A_178 = vector.broadcast %sub3A_177 : i32 to vector<16xi32>
        %sub3A_179 = arith.subi %add3A_176, %sub3A_178 : vector<16xi32>
        %gather3A_180 = tpu.vector_load_idx %arg15[%sub3A_179] : memref<1024xi32, #tpu.memory_space<vmem>>[vector<16xi32>], vector<16xi32>,
        %lt3A = arith.constant 9487 : i32
        %lt3A_181 = vector.broadcast %lt3A : i32 to vector<16xi32>
        %lt3A_182 = arith.cmpi slt, %gather3A_170, %lt3A_181 : vector<16xi32>
        %select_n3A_183 = arith.select %lt3A_182, %gather3A_170, %gather3A_180 : vector<16xi1>, vector<16xi32>
        %gather3A_184 = tpu.vector_load_idx %arg14[%select_n3A_183] : memref<9488xf32, #tpu.memory_space<vmem>>[vector<16xi32>], vector<16xf32>,
        %ne3A_185 = arith.constant 0 : i32
        %ne3A_186 = vector.broadcast %ne3A_185 : i32 to vector<16xi32>
        %ne3A_187 = arith.cmpi ne, %select_n3A_183, %ne3A_186 : vector<16xi32>
        %jit3A_188 = arith.constant 0.000000e+00 : f32
        %broadcast_in_dim3A_189 = vector.broadcast %jit3A_188 : f32 to vector<16xf32>
        %select_n3A_190 = arith.select %ne3A_187, %gather3A_184, %broadcast_in_dim3A_189 : vector<16xi1>, vector<16xf32>
        %add3A_191 = arith.addf %scan3A_161, %select_n3A_190 : vector<16xf32>
        %jit3A_192 = arith.constant 1.000000e+00 : f32
        %jit3A_193 = arith.constant 0.000000e+00 : f32
        %broadcast_in_dim3A_194 = vector.broadcast %jit3A_192 : f32 to vector<16xf32>
        %broadcast_in_dim3A_195 = vector.broadcast %jit3A_193 : f32 to vector<16xf32>
        %select_n3A_196 = arith.select %ne3A_187, %broadcast_in_dim3A_194, %broadcast_in_dim3A_195 : vector<16xi1>, vector<16xf32>
        %add3A_197 = arith.addf %scan3A_162, %select_n3A_196 : vector<16xf32>
        scf.yield %add3A_191, %add3A_197 : vector<16xf32>, vector<16xf32>
      }
      %scan3A_106 = arith.constant 20 : i32
      %max3A = arith.constant 1.000000e+00 : f32
      %max3A_107 = vector.broadcast %max3A : f32 to vector<16xf32>
      %max3A_108 = arith.maximumf %scan3A_105#1, %max3A_107 : vector<16xf32>
      %div3A_109 = arith.divf %scan3A_105#0, %max3A_108 : vector<16xf32>
      %scan3A_110 = arith.constant 0 : i32
      %scan3A_111 = arith.constant 20 : i32
      %scan3A_112 = arith.addi %scan3A_110, %scan3A_111 : i32
      %scan3A_113 = arith.constant 1 : i32
      %scan3A_114:2 = scf.for %scan3A_160 = %scan3A_110 to %scan3A_112 step %scan3A_113 iter_args(%scan3A_161 = %broadcast_in_dim3A_37, %scan3A_162 = %broadcast_in_dim3A_37) -> (vector<16xf32>, vector<16xf32>)  : i32 {
        %mul3A_163 = arith.constant 20 : i32
        %mul3A_164 = vector.broadcast %mul3A_163 : i32 to vector<16xi32>
        %mul3A_165 = arith.muli %iota3A, %mul3A_164 : vector<16xi32>
        %add3A_166 = vector.broadcast %mul3A_100 : i32 to vector<16xi32>
        %add3A_167 = arith.addi %mul3A_165, %add3A_166 : vector<16xi32>
        %add3A_168 = vector.broadcast %scan3A_160 : i32 to vector<16xi32>
        %add3A_169 = arith.addi %add3A_167, %add3A_168 : vector<16xi32>
        %gather3A_170 = tpu.vector_load_idx %arg19[%add3A_169] : memref<2560xi32, #tpu.memory_space<vmem>>[vector<16xi32>], vector<16xi32>,
        %gather3A_171 = tpu.vector_load_idx %arg20[%add3A_169] : memref<2560xi32, #tpu.memory_space<vmem>>[vector<16xi32>], vector<16xi32>,
        %gather3A_172 = tpu.vector_load_idx %arg21[%add3A_169] : memref<2560xi32, #tpu.memory_space<vmem>>[vector<16xi32>], vector<16xi32>,
        %mul3A_173 = arith.constant 2 : i32
        %mul3A_174 = vector.broadcast %mul3A_173 : i32 to vector<16xi32>
        %mul3A_175 = arith.muli %gather3A_172, %mul3A_174 : vector<16xi32>
        %add3A_176 = arith.addi %mul3A_175, %gather3A_171 : vector<16xi32>
        %sub3A_177 = arith.constant 1 : i32
        %sub3A_178 = vector.broadcast %sub3A_177 : i32 to vector<16xi32>
        %sub3A_179 = arith.subi %add3A_176, %sub3A_178 : vector<16xi32>
        %gather3A_180 = tpu.vector_load_idx %arg15[%sub3A_179] : memref<1024xi32, #tpu.memory_space<vmem>>[vector<16xi32>], vector<16xi32>,
        %lt3A = arith.constant 9487 : i32
        %lt3A_181 = vector.broadcast %lt3A : i32 to vector<16xi32>
        %lt3A_182 = arith.cmpi slt, %gather3A_170, %lt3A_181 : vector<16xi32>
        %select_n3A_183 = arith.select %lt3A_182, %gather3A_170, %gather3A_180 : vector<16xi1>, vector<16xi32>
        %gather3A_184 = tpu.vector_load_idx %arg14[%select_n3A_183] : memref<9488xf32, #tpu.memory_space<vmem>>[vector<16xi32>], vector<16xf32>,
        %ne3A_185 = arith.constant 0 : i32
        %ne3A_186 = vector.broadcast %ne3A_185 : i32 to vector<16xi32>
        %ne3A_187 = arith.cmpi ne, %select_n3A_183, %ne3A_186 : vector<16xi32>
        %jit3A_188 = arith.constant 0.000000e+00 : f32
        %broadcast_in_dim3A_189 = vector.broadcast %jit3A_188 : f32 to vector<16xf32>
        %select_n3A_190 = arith.select %ne3A_187, %gather3A_184, %broadcast_in_dim3A_189 : vector<16xi1>, vector<16xf32>
        %add3A_191 = arith.addf %scan3A_161, %select_n3A_190 : vector<16xf32>
        %jit3A_192 = arith.constant 1.000000e+00 : f32
        %jit3A_193 = arith.constant 0.000000e+00 : f32
        %broadcast_in_dim3A_194 = vector.broadcast %jit3A_192 : f32 to vector<16xf32>
        %broadcast_in_dim3A_195 = vector.broadcast %jit3A_193 : f32 to vector<16xf32>
        %select_n3A_196 = arith.select %ne3A_187, %broadcast_in_dim3A_194, %broadcast_in_dim3A_195 : vector<16xi1>, vector<16xf32>
        %add3A_197 = arith.addf %scan3A_162, %select_n3A_196 : vector<16xf32>
        scf.yield %add3A_191, %add3A_197 : vector<16xf32>, vector<16xf32>
      }
      %scan3A_115 = arith.constant 20 : i32
      %max3A_116 = arith.constant 1.000000e+00 : f32
      %max3A_117 = vector.broadcast %max3A_116 : f32 to vector<16xf32>
      %max3A_118 = arith.maximumf %scan3A_114#1, %max3A_117 : vector<16xf32>
      %div3A_119 = arith.divf %scan3A_114#0, %max3A_118 : vector<16xf32>
      %mul3A_120 = arith.constant 16 : i32
      %mul3A_121 = arith.muli %add3A_96, %mul3A_120 : i32
      %add3A_122 = vector.broadcast %mul3A_121 : i32 to vector<16xi32>
      %add3A_123 = arith.addi %add3A_122, %iota3A : vector<16xi32>
      %jit3A = arith.constant 4 : i32
      %div3A_124 = vector.broadcast %jit3A : i32 to vector<16xi32>
      %div3A_125 = arith.divsi %add3A_123, %div3A_124 : vector<16xi32>
      %sign3A = arith.constant 0 : i32
      %sign3A_126 = vector.broadcast %sign3A : i32 to vector<16xi32>
      %sign3A_127 = arith.cmpi sgt, %add3A_123, %sign3A_126 : vector<16xi32>
      %sign3A_128 = arith.extui %sign3A_127 : vector<16xi1> to vector<16xi32>
      %sign3A_129 = arith.constant 0 : i32
      %sign3A_130 = vector.broadcast %sign3A_129 : i32 to vector<16xi32>
      %sign3A_131 = arith.cmpi slt, %add3A_123, %sign3A_130 : vector<16xi32>
      %sign3A_132 = arith.extui %sign3A_131 : vector<16xi1> to vector<16xi32>
      %sign3A_133 = arith.subi %sign3A_128, %sign3A_132 : vector<16xi32>
      %sign3A_134 = arith.constant 0 : i32
      %sign3A_135 = arith.cmpi sgt, %jit3A, %sign3A_134 : i32
      %sign3A_136 = arith.extui %sign3A_135 : i1 to i32
      %sign3A_137 = arith.constant 0 : i32
      %sign3A_138 = arith.cmpi slt, %jit3A, %sign3A_137 : i32
      %sign3A_139 = arith.extui %sign3A_138 : i1 to i32
      %sign3A_140 = arith.subi %sign3A_136, %sign3A_139 : i32
      %ne3A = vector.broadcast %sign3A_140 : i32 to vector<16xi32>
      %ne3A_141 = arith.cmpi ne, %sign3A_133, %ne3A : vector<16xi32>
      %rem3A = vector.broadcast %jit3A : i32 to vector<16xi32>
      %rem3A_142 = arith.remsi %add3A_123, %rem3A : vector<16xi32>
      %ne3A_143 = arith.constant 0 : i32
      %ne3A_144 = vector.broadcast %ne3A_143 : i32 to vector<16xi32>
      %ne3A_145 = arith.cmpi ne, %rem3A_142, %ne3A_144 : vector<16xi32>
      %and3A = arith.andi %ne3A_141, %ne3A_145 : vector<16xi1>
      %sub3A = arith.constant 1 : i32
      %sub3A_146 = vector.broadcast %sub3A : i32 to vector<16xi32>
      %sub3A_147 = arith.subi %div3A_125, %sub3A_146 : vector<16xi32>
      %select_n3A = arith.select %and3A, %sub3A_147, %div3A_125 : vector<16xi1>, vector<16xi32>
      %gather3A = tpu.vector_load_idx %arg24[%select_n3A] : memref<32xf32, #tpu.memory_space<vmem>>[vector<16xi32>], vector<16xf32>,
      %sub3A_148 = arith.subf %div3A_109, %div3A_119 : vector<16xf32>
      %mul3A_149 = arith.mulf %sub3A_148, %gather3A : vector<16xf32>
      %get3A_150 = arith.constant 0 : index
      %get3A_151 = tpu.vector_load %arg26[%get3A_150] {strides = array<i32>} : memref<16xf32, #tpu.memory_space<vmem>>, vector<16xf32>,
      %add3A_152 = arith.addf %get3A_151, %mul3A_149 : vector<16xf32>
      %swap3A_153 = arith.constant 0 : index
      %swap3A_154 = tpu.vector_load %arg26[%swap3A_153] {strides = array<i32>} : memref<16xf32, #tpu.memory_space<vmem>>, vector<16xf32>,
      tpu.vector_store %arg26[%swap3A_153], %add3A_152 {strides = array<i32>} : memref<16xf32, #tpu.memory_space<vmem>>, vector<16xf32>,
      %scan3A_155 = arith.constant 0 : i32
      %scan3A_156 = arith.constant 20 : i32
      %scan3A_157 = arith.addi %scan3A_155, %scan3A_156 : i32
      %scan3A_158 = arith.constant 1 : i32
      scf.for %scan3A_160 = %scan3A_155 to %scan3A_157 step %scan3A_158  : i32 {
        %mul3A_161 = arith.constant 1 : i32
        %mul3A_162 = arith.muli %scan3A_160, %mul3A_161 : i32
        %add3A_163 = arith.constant 0 : i32
        %add3A_164 = arith.addi %add3A_163, %mul3A_162 : i32
        %mul3A_165 = arith.constant 20 : i32
        %mul3A_166 = vector.broadcast %mul3A_165 : i32 to vector<16xi32>
        %mul3A_167 = arith.muli %iota3A, %mul3A_166 : vector<16xi32>
        %add3A_168 = vector.broadcast %mul3A_100 : i32 to vector<16xi32>
        %add3A_169 = arith.addi %mul3A_167, %add3A_168 : vector<16xi32>
        %add3A_170 = vector.broadcast %add3A_164 : i32 to vector<16xi32>
        %add3A_171 = arith.addi %add3A_169, %add3A_170 : vector<16xi32>
        tpu.vector_store_idx %arg25[%add3A_171], %mul3A_149 : memref<2560xf32, #tpu.memory_space<vmem>>[vector<16xi32>], vector<16xf32>,
      }
      %scan3A_159 = arith.constant 20 : i32
    }
    %scan3A_75 = arith.constant 8 : i32
    %dma_start3A_76 = tpu.memref_slice %arg12[%mul3A_2] : memref<81920xf32, #tpu.memory_space<hbm>> -> memref<2560xf32, #tpu.memory_space<hbm>>
    %dma_start3A_77 = tpu.memref_slice %arg12[%mul3A_2] : memref<81920xf32, #tpu.memory_space<hbm>> -> memref<2560xf32, #tpu.memory_space<hbm>>
    tpu.enqueue_dma source(%arg25 : memref<2560xf32, #tpu.memory_space<vmem>>) target(%dma_start3A_77 : memref<2560xf32, #tpu.memory_space<hbm>>) target_semaphore(%arg27 : memref<!tpu.dma_semaphore, #tpu.memory_space<semaphore_mem>>)
    %dma_wait3A_78 = tpu.memref_slice %arg12[%mul3A_2] : memref<81920xf32, #tpu.memory_space<hbm>> -> memref<2560xf32, #tpu.memory_space<hbm>>
    %dma_wait3A_79 = tpu.memref_slice %arg12[%mul3A_2] : memref<81920xf32, #tpu.memory_space<hbm>> -> memref<2560xf32, #tpu.memory_space<hbm>>
    tpu.wait_dma2 semaphore(%arg27 : memref<!tpu.dma_semaphore, #tpu.memory_space<semaphore_mem>>) src(%arg25 : memref<2560xf32, #tpu.memory_space<vmem>>) dst(%dma_wait3A_79 : memref<2560xf32, #tpu.memory_space<hbm>>)
    %dma_start3A_80 = arith.constant 0 : i32
    %dma_start3A_81 = tpu.memref_slice %arg13[%add3A, %dma_start3A_80] : memref<32x16xf32, #tpu.memory_space<hbm>> -> memref<1x16xf32, #tpu.memory_space<hbm>>
    %dma_start3A_82 = tpu.memref_squeeze %dma_start3A_81 : memref<1x16xf32, #tpu.memory_space<hbm>> -> memref<16xf32, #tpu.memory_space<hbm>>
    %dma_start3A_83 = arith.constant 0 : i32
    %dma_start3A_84 = tpu.memref_slice %arg13[%add3A, %dma_start3A_83] : memref<32x16xf32, #tpu.memory_space<hbm>> -> memref<1x16xf32, #tpu.memory_space<hbm>>
    %dma_start3A_85 = tpu.memref_squeeze %dma_start3A_84 : memref<1x16xf32, #tpu.memory_space<hbm>> -> memref<16xf32, #tpu.memory_space<hbm>>
    tpu.enqueue_dma source(%arg26 : memref<16xf32, #tpu.memory_space<vmem>>) target(%dma_start3A_85 : memref<16xf32, #tpu.memory_space<hbm>>) target_semaphore(%arg27 : memref<!tpu.dma_semaphore, #tpu.memory_space<semaphore_mem>>)
    %dma_wait3A_86 = arith.constant 0 : i32
    %dma_wait3A_87 = tpu.memref_slice %arg13[%add3A, %dma_wait3A_86] : memref<32x16xf32, #tpu.memory_space<hbm>> -> memref<1x16xf32, #tpu.memory_space<hbm>>
    %dma_wait3A_88 = tpu.memref_squeeze %dma_wait3A_87 : memref<1x16xf32, #tpu.memory_space<hbm>> -> memref<16xf32, #tpu.memory_space<hbm>>
    %dma_wait3A_89 = arith.constant 0 : i32
    %dma_wait3A_90 = tpu.memref_slice %arg13[%add3A, %dma_wait3A_89] : memref<32x16xf32, #tpu.memory_space<hbm>> -> memref<1x16xf32, #tpu.memory_space<hbm>>
    %dma_wait3A_91 = tpu.memref_squeeze %dma_wait3A_90 : memref<1x16xf32, #tpu.memory_space<hbm>> -> memref<16xf32, #tpu.memory_space<hbm>>
    tpu.wait_dma2 semaphore(%arg27 : memref<!tpu.dma_semaphore, #tpu.memory_space<semaphore_mem>>) src(%arg26 : memref<16xf32, #tpu.memory_space<vmem>>) dst(%dma_wait3A_91 : memref<16xf32, #tpu.memory_space<hbm>>)
    return
  }
}

module attributes {stable_mosaic.version = 14 : i64} {
  func.func @_mean_body(%arg0: memref<32x16xf32, #tpu.memory_space<vmem>>, %arg1: memref<1x1xf32, #tpu.memory_space<vmem>>) attributes {dimension_semantics = [], scalar_prefetch = 0 : i64, scratch_operands = 0 : i64, tpu.core_type = #tpu.core_type<tc>} {
    %get3A = arith.constant 0 : index
    %get3A_0 = arith.constant 0 : index
    %get3A_1 = vector.load %arg0[%get3A, %get3A_0] : memref<32x16xf32, #tpu.memory_space<vmem>>, vector<32x16xf32>
    %reduce_sum3A = vector.shape_cast %get3A_1 : vector<32x16xf32> to vector<1x32x16xf32>
    %reduce_sum3A_2 = arith.constant dense<0.000000e+00> : vector<1xf32>
    %reduce_sum3A_3 = vector.multi_reduction <add>, %reduce_sum3A, %reduce_sum3A_2 [1, 2] : vector<1x32x16xf32> to vector<1xf32>
    %reduce_sum3A_4 = vector.shape_cast %reduce_sum3A_3 : vector<1xf32> to vector<1x1x1xf32>
    %reduce_sum3A_5 = vector.extract %reduce_sum3A_4[0, 0, 0] : f32 from vector<1x1x1xf32>
    %mul3A = arith.constant 2.44140625E-4 : f32
    %mul3A_6 = arith.mulf %reduce_sum3A_5, %mul3A : f32
    %broadcast_in_dim3A = vector.broadcast %mul3A_6 : f32 to vector<1x1xf32>
    %swap3A = arith.constant 0 : index
    %swap3A_7 = arith.constant 0 : index
    %swap3A_8 = vector.load %arg1[%swap3A, %swap3A_7] : memref<1x1xf32, #tpu.memory_space<vmem>>, vector<1x1xf32>
    tpu.vector_store %arg1[%swap3A, %swap3A_7], %broadcast_in_dim3A {strides = array<i32>} : memref<1x1xf32, #tpu.memory_space<vmem>>, vector<1x1xf32>,
    return
  }
}

</mosaic_0001>

<sc_bundles>
// kernel: kernel.4.cloned.1.call-start
scs
__scs_entry_jumppad:
0x0: {  	(pc) =	sbr.rel $0x88, $3  }
0x1: {  	(tag) =	ssettag $0x0;
	lr =	simm.s32 $0x1  }
0x2: {  	[smem:$0x3F97] =	sst lr;
	_ =	strace $0xD0000000  }
0x3: {  	_ = 	snop  }
0x4: {  	_ = 	snop  }
0x5: {  	_ = 	snop  }
0x6: {  	_ = 	snop  }
0x7: {  	_ = 	snop  }
__scs_overlays_trampoline_lowered:
0x8: {  	[smem:$0x3FA6] =	sst s0  }
0x9: {  	[smem:$0x3FA7] =	sst s1  }
0xa: {  	[smem:$0x3FA8] =	sst s2  }
0xb: {  	[smem:$0x3FA9] =	sst s3  }
0xc: {  	[smem:$0x3FAA] =	sst s4  }
0xd: {  	[smem:$0x3FAB] =	sst s5  }
0xe: {  	[smem:$0x3FAC] =	sst s6  }
0xf: {  	[smem:$0x3FAD] =	sst s7  }
0x10: {  	[smem:$0x3FAE] =	sst s8  }
0x11: {  	[smem:$0x3FAF] =	sst s9;
	s0 =	simm.s32 @!p0 $0x0  }
0x12: {  	s1 =	sld [smem:$0x3F95];
	s0 =	simm.s32 @p0 $0x1  }
0x13: {  	[smem:$0x3FB0] =	sst s0;
	s0 =	simm.s32 @!p1 $0x0  }
0x14: {  	s2 =	sld [smem:$0x3F94];
	s0 =	simm.s32 @p1 $0x1  }
0x15: {  	[smem:$0x3FB1] =	sst s0;
	s0 =	simm.s32 @!p2 $0x0  }
0x16: {  	s3 =	sld [smem:$0x3FDB];
	s0 =	simm.s32 @p2 $0x1  }
0x17: {  	s4 =	simm.s32 $0x1BF5;
	[smem:$0x3FB3] =	sst s0  }
0x18: {  	s0 =	sld [smem:$0x3F96];
	_ =	swait.ge [sflag:s4], $0x0  }
0x19: {  	s7 =	sld [smem:$0x3F97]  }
0x1a: {  	s8 =	sadd.s32 $0xFFFFE003, lr  }
0x1b: {  	s9 =	sadd.s32 $0xFFFFFEF7, lr;
	s5 =	simm.s32 $0xFFFFFFFF;
	p2 =	slt.u32 s8, $0xFFFFF086  }
0x1c: {  	p1 =	slt.u32 s9, $0xF7A;
	s5 =	simm.s32 @!p2 $0x0  }
0x1d: {  	s5 =	simm.s32 @p1 $0x1;
	p0 =	seq.s32 s7, s2  }
0x1e: {  	s7 =	smul.u32 @!p0 $0xF7A, s2;
	p2 =	seq.s32 @!p0 s5, $0x0  }
0x1f: {  	s9 =	smul.u32 $0xF7A, s1;
	s8 =	simm.s32 @!p0 $0x1BF5;
	p2 =	por !p2, p0  }
0x20: {  	[sflag:s8] =	ssyncset.s32 @!p0 $0xFFFFF086;
	s6 =	sadd.s32 @!p0 s3, s7;
	s7 =	simm.s32 @!p0 $0x108  }
0x21: {  	s3 =	sadd.s32 s3, s9;
	s6 =	sadd.s32 @!p0 $0x88, s6;
	s7 =	simm.s32 @p2 $0x1082  }
0x22: {  	[simem:s7], [sflag:s8] =	dma.local @!p0 [hbm:s6], $0xF7A  }
0x23: {  	s9 =	sor.u32 $0xD0000000, s2;
	s6 =	simm.s32 $0x108;
	_ =	swait.ge @!p0 [sflag:s8], $0x0  }
0x24: {  	s3 =	sadd.s32 $0x88, s3;
	s6 =	simm.s32 @!p1 $0x1082;
	[sflag:s4] =	ssyncset.s32 $0xFFFFF086  }
0x25: {  	[simem:s6], [sflag:s4] =	dma.local [hbm:s3], $0xF7A  }
0x26: {  	[smem:$0x3F97] =	sst s1;
	(tag) =	ssettag s2;
	_ =	strace s9  }
0x27: {  	s1 =	sld [smem:$0x3FA7]  }
0x28: {  	s2 =	sld [smem:$0x3FA8]  }
0x29: {  	s4 =	sld [smem:$0x3FAA]  }
0x2a: {  	p0 =	seq.s32 s5, $0x0;
	s5 =	sld [smem:$0x3FAB]  }
0x2b: {  	s6 =	sld [smem:$0x3FAC]  }
0x2c: {  	s7 =	sld [smem:$0x3FAD]  }
0x2d: {  	s3 =	simm.s32 $0x108;
	s8 =	sld [smem:$0x3FAE]  }
0x2e: {  	s3 =	simm.s32 @!p0 $0x1082;
	s9 =	sld [smem:$0x3FAF]  }
0x2f: {  	lr =	sadd.s32 s0, s3;
	s0 =	sld [smem:$0x3FA6]  }
0x30: {  	s3 =	sld [smem:$0x3FA9]  }
0x31: {  	[smem:$0x3FB2] =	sst s10  }
0x32: {  	s10 =	sld [smem:$0x3FB0];
	_ =	sdelay $0x3  }
0x33: {  	p0 =	seq.s32 s10, $0x1;
	s10 =	sld [smem:$0x3FB2];
	_ =	sdelay $0x3  }
0x34: {  	[smem:$0x3FB2] =	sst s10  }
0x35: {  	s10 =	sld [smem:$0x3FB1];
	_ =	sdelay $0x3  }
0x36: {  	p1 =	seq.s32 s10, $0x1;
	s10 =	sld [smem:$0x3FB2];
	_ =	sdelay $0x3  }
0x37: {  	[smem:$0x3FB2] =	sst s10  }
0x38: {  	s10 =	sld [smem:$0x3FB3]  }
0x39: {  	_ = 	snop;
	(pc) =	sbr.ind lr, $3  }
0x3a: {  	_ = 	snop  }
0x3b: {  	_ = 	snop  }
0x3c: {  	p2 =	seq.s32 s10, $0x1;
	s10 =	sld [smem:$0x3FB2]  }
0x3d: {  	_ =	shalt  }
0x3e: {  	_ =	shalt  }
0x3f: {  	_ =	shalt  }
0x40: {  	_ =	shalt  }
0x41: {  	_ =	shalt  }
0x42: {  	_ =	shalt  }
0x43: {  	_ =	shalt  }
0x44: {  	_ =	shalt  }
0x45: {  	_ =	shalt  }
0x46: {  	_ =	shalt  }
0x47: {  	_ =	shalt  }
0x48: {  	_ =	shalt  }
0x49: {  	_ =	shalt  }
0x4a: {  	_ =	shalt  }
0x4b: {  	_ =	shalt  }
0x4c: {  	_ =	shalt  }
0x4d: {  	_ =	shalt  }
0x4e: {  	_ =	shalt  }
0x4f: {  	_ =	shalt  }
0x50: {  	_ =	shalt  }
0x51: {  	_ =	shalt  }
0x52: {  	_ =	shalt  }
0x53: {  	_ =	shalt  }
0x54: {  	_ =	shalt  }
0x55: {  	_ =	shalt  }
0x56: {  	_ =	shalt  }
0x57: {  	_ =	shalt  }
0x58: {  	_ =	shalt  }
0x59: {  	_ =	shalt  }
0x5a: {  	_ =	shalt  }
0x5b: {  	_ =	shalt  }
0x5c: {  	_ =	shalt  }
0x5d: {  	_ =	shalt  }
0x5e: {  	_ =	shalt  }
0x5f: {  	_ =	shalt  }
0x60: {  	_ =	shalt  }
0x61: {  	_ =	shalt  }
0x62: {  	_ =	shalt  }
0x63: {  	_ =	shalt  }
0x64: {  	_ =	shalt  }
0x65: {  	_ =	shalt  }
0x66: {  	_ =	shalt  }
0x67: {  	_ =	shalt  }
0x68: {  	_ =	shalt  }
0x69: {  	_ =	shalt  }
0x6a: {  	_ =	shalt  }
0x6b: {  	_ =	shalt  }
0x6c: {  	_ =	shalt  }
0x6d: {  	_ =	shalt  }
0x6e: {  	_ =	shalt  }
0x6f: {  	_ =	shalt  }
0x70: {  	_ =	shalt  }
0x71: {  	_ =	shalt  }
0x72: {  	_ =	shalt  }
0x73: {  	_ =	shalt  }
0x74: {  	_ =	shalt  }
0x75: {  	_ =	shalt  }
0x76: {  	_ =	shalt  }
0x77: {  	_ =	shalt  }
0x78: {  	_ =	shalt  }
0x79: {  	_ =	shalt  }
0x7a: {  	_ =	shalt  }
0x7b: {  	_ =	shalt  }
0x7c: {  	_ =	shalt  }
0x7d: {  	_ =	shalt  }
0x7e: {  	_ =	shalt  }
0x7f: {  	_ =	shalt  }
0x80: {  	_ =	shalt  }
0x81: {  	_ =	shalt  }
0x82: {  	_ =	shalt  }
0x83: {  	_ =	shalt  }
0x84: {  	_ =	shalt  }
0x85: {  	_ =	shalt  }
0x86: {  	_ =	shalt  }
0x87: {  	_ =	shalt  }
.Lfunc_end0:
.L_simem_size_0:
called_computation_lowered:
.L_overlay_start_0:
0x88: {  	s2 =	sld [smem:$0x3FD9]  }
0x89: {  	s3 =	sld [smem:$0x3FFE];
	_ =	sdelay $0x1  }
0x8a: {  	s1 =	srdreg.scid  }
0x8b: {  	s0 =	sand.u32 $0x1, s1  }
0x8c: {  	s14 =	sshll.u32 s0, $0xA;
	s2 =	sadd.s32 s3, s2  }
0x8d: {  	s2 =	sadd.s32 s2, s14  }
0x8e: {  	[smem:$0x3FBE] =	sst s2  }
0x8f: {  	_ = 	snop  }
0x90: {  	s2 =	sld [smem:$0x3FD0];
	_ =	sdelay $0x2  }
0x91: {  	s4 =	simm.s32 $0xA;
	s5 =	simm.s32 $0x10;
	s15 =	sld [smem:$0x3FC2]  }
0x92: {  	[smem:s5], [sflag:s4] =	dma.local [hbm:s2], $0x1  }
0x93: {  	_ =	swait.eq [sflag:s4], $0x1  }
0x94: {  	[sflag:s4] =	ssyncset.done $0x0  }
0x95: {  	[sflag:s4] =	ssyncadd.s32 $0xFFFFFFFF  }
0x96: {  	s16 =	sld [smem:$0x10];
	(tm) =	ssettm $0x1  }
0x97: {  	s17 =	sld [smem:$0x3FFB];
	_ =	sdelay $0x3  }
0x98: {  	_ =	strace s17  }
0x99: {  	s4 =	sld [smem:$0x3FFC];
	_ =	sdelay $0x3  }
0x9a: {  	_ =	strace s4  }
0x9b: {  	s4 =	sld [smem:$0x3FFD];
	_ =	sdelay $0x3  }
0x9c: {  	_ =	strace s4  }
0x9d: {  	_ =	strace $0x8FFFFFFF  }
0x9e: {  	s18 =	sld [smem:$0x3FDB];
	_ =	sdelay $0x1  }
0x9f: {  	s19 =	simm.s32 $_scs_section_size  }
0xa0: {  	s6 =	simm.s32 $_size__tile_overlayer_lowered;
	s7 =	simm.s32 $_tile_overlayer_lowered  }
0xa1: {  	s22 =	simm.s32 $0x1BFF;
	s21 =	sshll.u32 s7, $0x1;
	s4 =	sadd.s32 s19, s18  }
0xa2: {  	s8 =	simm.s32 $0x0;
	s20 =	sshll.u32 s6, $0x1;
	s6 =	sadd.s32 s21, s4  }
0xa3: {  	[timem:s8], [sflag:s22] =	dma.local [hbm:s6], s20  }
0xa4: {  	_ =	swait.ge [sflag:s22], s20  }
0xa5: {  	s5 =	ssub.s32 $0x0, s20;
	[sflag:s22] =	ssyncset.done $0x0  }
0xa6: {  	[sflag:s22] =	ssyncadd.s32 s5;
	_ =	sdelay $0x1  }
0xa7: {  	s23 =	simm.s32 $0x1B8B  }
0xa8: {  	_ =	swait.ge [sflag:s23], $0x1  }
0xa9: {  	[sflag:s23] =	ssyncset.done $0x0  }
0xaa: {  	s25 =	simm.s32 $0x1B8E;
	s24 =	sld [smem:$0x3FFE];
	[sflag:s23] =	ssyncadd.s32 $0xFFFFFFFF  }
0xab: {  	s26 =	simm.s32 $execute0_lowered;
	[smem:$0x3FD2] =	sst s25  }
0xac: {  	s6 =	sshll.u32 s26, $0x1;
	_ =	strace $0x80000046;
	[dreg:$0x1] =	wrdreg $0xFFFFFFFF  }
0xad: {  	s28 =	simm.s32 $_size_execute0_lowered;
	s4 =	sadd.s32 s4, s6;
	[dreg:$0x0] =	wrdreg $0x0  }
0xae: {  	s6 =	sshll.u32 s28, $0x1;
	[dreg:$0x2] =	wrdreg s4  }
0xaf: {  	[dreg:$0x3] =	wrdreg s6  }
0xb0: {  	[dreg:$0x4] =	wrdreg $0xC0  }
0xb1: {  	_ =	task [dreg:s8], $0x5FFFF  }
0xb2: {  	[dreg:$0x1] =	wrdreg $0xFFFFFFFF  }
0xb3: {  	[dreg:$0x0] =	wrdreg $0x60  }
0xb4: {  	[dreg:$0x2] =	wrdreg s16  }
0xb5: {  	[dreg:$0x3] =	wrdreg s24  }
0xb6: {  	[dreg:$0x4] =	wrdreg s15  }
0xb7: {  	[dreg:$0x5] =	wrdreg $0x9  }
0xb8: {  	_ =	task.clear_ibuf [dreg:s8], $0x6FFFF;
	_ =	strace $0x90000046  }
0xb9: {  	s29 =	simm.s32 $0x9;
	_ =	strace $0x80000048  }
0xba: {  	_ =	swait.ge [sflag:s29], $0x1  }
0xbb: {  	[sflag:s29] =	ssyncadd.s32 $0xFFFFFFFF  }
0xbc: {  	_ =	strace $0x90000048  }
0xbd: {  	_ =	sfence  }
0xbe: {  	s30 =	sld [smem:$0x0];
	_ =	sdelay $0x2  }
0xbf: {  	s31 =	sshll.u32 s1, $0xD;
	s1 =	sshrl.u32 s1, $0x2  }
0xc0: {  	s3 =	sand.u32 $0x4000, s31;
	s1 =	sadd.s32 s1, s30  }
0xc1: {  	s0 =	sor.u32 s3, s0;
	s1 =	sshll.u32 s1, $0x11  }
0xc2: {  	s0 =	sor.u32 s1, s0  }
0xc3: {  	s0 =	sadd.s32 $0x8F2B, s0  }
0xc4: {  	[sflag:s0] =	ssyncadd.remote.s32 $0x1  }
0xc5: {  	_ =	sfence.sel $0xFFFF  }
0xc6: {  	[dreg:$0x0] =	wrdreg $0xFFFFFFFF;
	(pc) =	sbr.abs _section_cstart, $3  }
0xc7: {  	[dreg:$0x1] =	wrdreg $0xFFFFFFFF  }
0xc8: {  	_ =	task.clear_ibuf [dreg:s8], $0x2FFFF;
	_ =	strace $0x9FFFFFFF  }
0xc9: {  	(tm) =	ssettm $0x7FFFFFFF  }
tec
execute0_lowered:
.L_overlay_start_1:
0x0: {  	(tag) =	ssettag $0x1  }
0x1: {  	s0 =	rddreg [dreg:$0x0]  }
0x2: {  	s1 =	rddreg [dreg:$0x1]  }
0x3: {  	s2 =	srdreg.scid;
	s3 =	stileid.u32  }
0x4: {  	s12 =	rddreg [dreg:$0x2];
	s16 =	simm.s32 $0x2580;
	s17 =	simm.s32 $0x2980  }
0x5: {  	s18 =	simm.s32 $0x3380;
	s19 =	simm.s32 $0x3D80;
	s20 =	simm.s32 $0x4780  }
0x6: {  	s21 =	simm.s32 $0x5180;
	s22 =	simm.s32 $0x5B80;
	s23 =	simm.s32 $0x6580  }
0x7: {  	s28 =	simm.s32 $0x7300;
	s30 =	simm.s32 $0x0;
	s31 =	simm.s32 $0x0  }
0x8: {  	s5 =	sand.u32 $0x1, s2;
	s3 =	sshll.u32 s3, $0x1;
	s2 =	simm.s32 $0x0  }
0x9: {  	s25 =	sadd.s32 $0x11A00, s1;
	s4 =	sadd.s32 $0x11400, s1;
	s13 =	sor.u32 s5, s3  }
0xa: {  	[smem:$0x7FF] =	sst s2;
	s5 =	ssub.s32 $0x2, s5;
	s3 =	smul.u32 $0x190, s13  }
0xb: {  	_ =	strace $0x80000047;
	[dreg:$0x4] =	wrdreg s25;
	s6 =	smul.u32 $0x140, s13  }
0xc: {  	s7 =	sshll.u32 s13, $0x4;
	s26 =	sshrl.u32 s5, $0x1;
	s29 =	sshll.u32 s13, $0x2  }
0xd: {  	s25 =	simm.s32 $0x1;
	s15 =	ssub.s32 s5, s26;
	s12 =	sadd.s32 s12, s29  }
.Ltmp0:
0xe: {  	v0 =	vlaneseq.u32;
	v2 =	vimm.f32 $1.000000000e+00;
	s26 =	simm.s32 $0x7280;
	s11 =	sadd.s32 s3, s1;
	(pc) =	sbr.rel .LBB2_1-.Ltmp0, $4  }
0xf: {  	vm0 =	vcmask $0x1F14;
	vm1 =	vcmask $0xF04;
	v4 =	vimm.f32 $0.0e+00;
	s14 =	sadd.s32 s6, s1;
	s1 =	sadd.s32 s7, s1;
	s5 =	sadd.s32 s0, s6  }
0x10: {  	v1 =	vmul.u32 $0x64, v0;
	vm0 =	vmor vm1, vm0;
	vm1 =	vcmask $0x2F24;
	s15 =	smax.u32 s15, $0x1;
	s6 =	sadd.s32 $0xEC00, s14;
	s7 =	sadd.s32 $0x4C00, s14  }
0x11: {  	v6 =	vimm.s32 $0x0;
	vm0 =	vmor vm0, vm1;
	vm1 =	vcmask $0x3F34;
	s8 =	sadd.s32 $0x7400, s14;
	s9 =	sadd.s32 $0x9C00, s14;
	s10 =	sadd.s32 $0xC400, s14  }
0x12: {  	v5 =	vmul.u32 $0x14, v0;
	v3 =	vadd.s32 $0x640, v1;
	vm0 =	vmor vm0, vm1;
	s11 =	sadd.s32 $0x1A00, s11;
	s13 =	sadd.s32 $0x11C00, s14;
	s14 =	sadd.s32 $0x14400, s1  }
.LBB2_29:
0x13: {  	[hbm4b:s13+s2] =	stream.linear.scatter [tilespmem:s28], [sflag:$0x1], $0xA00, $0x38;
	[tilespmem:$0x7D80] =	vst v63  }
0x14: {  	s30 =	sadd.s32 $0x1, s30;
	_ =	swait.ge [sflag:s25], $0xA00  }
0x15: {  	p0 =	sne.s32 s30, s15;
	[sflag:s25] =	ssyncset.done $0x0  }
.Ltmp1:
0x16: {  	s0 =	simm.s32 $0x7D00;
	[sflag:s25] =	ssyncadd.s32 $0xFFFFF600;
	(pc) =	sbr.rel @!p0 .LBB2_30-.Ltmp1, $4  }
0x17: {  	[hbm4b:s14+s2] =	stream.linear.scatter [tilespmem:s0], [sflag:$0x1], $0x80, $0x38;
	[tilespmem:$0x7D80] =	vst v63  }
0x18: {  	_ =	swait.ge [sflag:s25], $0x80  }
0x19: {  	[sflag:s25] =	ssyncset.done $0x0  }
0x1a: {  	[sflag:s25] =	ssyncadd.s32 $0xFFFFFF80  }
.LBB2_1:
0x1b: {  	[tilespmem:s2], [sflag:$0x1] =	stream.linear.gather [hbm4b:s4+s2], $0x2580, $0x38;
	[tilespmem:$0x7D80] =	vst v63  }
0x1c: {  	s0 =	rddreg [dreg:$0x4]  }
0x1d: {  	[tilespmem:s16], [sflag:$0x1] =	stream.linear.gather [hbm4b:s0+s2], $0x400, $0x38;
	[tilespmem:$0x7D80] =	vst v63  }
0x1e: {  	_ = 	snop  }
0x1f: {  	[tilespmem:s17], [sflag:$0x1] =	stream.linear.gather [hbm4b:s5+s2], $0xA00, $0x38;
	[tilespmem:$0x7D80] =	vst v63  }
0x20: {  	_ = 	snop  }
0x21: {  	[tilespmem:s18], [sflag:$0x1] =	stream.linear.gather [hbm4b:s6+s2], $0xA00, $0x38;
	[tilespmem:$0x7D80] =	vst v63  }
0x22: {  	_ = 	snop  }
0x23: {  	[tilespmem:s19], [sflag:$0x1] =	stream.linear.gather [hbm4b:s7+s2], $0xA00, $0x38;
	[tilespmem:$0x7D80] =	vst v63  }
0x24: {  	_ = 	snop  }
0x25: {  	[tilespmem:s20], [sflag:$0x1] =	stream.linear.gather [hbm4b:s8+s2], $0xA00, $0x38;
	[tilespmem:$0x7D80] =	vst v63  }
0x26: {  	_ = 	snop  }
0x27: {  	[tilespmem:s21], [sflag:$0x1] =	stream.linear.gather [hbm4b:s9+s2], $0xA00, $0x38;
	[tilespmem:$0x7D80] =	vst v63  }
0x28: {  	_ = 	snop  }
0x29: {  	[tilespmem:s22], [sflag:$0x1] =	stream.linear.gather [hbm4b:s10+s2], $0xA00, $0x38;
	[tilespmem:$0x7D80] =	vst v63  }
0x2a: {  	_ = 	snop  }
0x2b: {  	[tilespmem:s23], [sflag:$0x1] =	stream.linear.gather [hbm4b:s11+s2], $0xC80, $0x38;
	[tilespmem:$0x7D80] =	vst v63  }
0x2c: {  	s29 =	simm.s32 $0x7200  }
0x2d: {  	[tilespmem:s29], [sflag:$0x1] =	stream.linear.gather [hbm4b:s12+s2], $0x20, $0x38;
	[tilespmem:$0x7D80] =	vst v63  }
0x2e: {  	_ =	swait.ge [sflag:s25], $0x2580  }
0x2f: {  	[sflag:s25] =	ssyncset.done $0x0  }
0x30: {  	[sflag:s25] =	ssyncadd.s32 $0xFFFFDA80  }
0x31: {  	_ =	swait.ge [sflag:s25], $0x400  }
0x32: {  	[sflag:s25] =	ssyncset.done $0x0  }
0x33: {  	[sflag:s25] =	ssyncadd.s32 $0xFFFFFC00  }
0x34: {  	_ =	swait.ge [sflag:s25], $0xA00  }
0x35: {  	[sflag:s25] =	ssyncset.done $0x0  }
0x36: {  	[sflag:s25] =	ssyncadd.s32 $0xFFFFF600  }
0x37: {  	_ =	swait.ge [sflag:s25], $0xA00  }
0x38: {  	[sflag:s25] =	ssyncset.done $0x0  }
0x39: {  	[sflag:s25] =	ssyncadd.s32 $0xFFFFF600  }
0x3a: {  	_ =	swait.ge [sflag:s25], $0xA00  }
0x3b: {  	[sflag:s25] =	ssyncset.done $0x0  }
0x3c: {  	[sflag:s25] =	ssyncadd.s32 $0xFFFFF600  }
0x3d: {  	_ =	swait.ge [sflag:s25], $0xA00  }
0x3e: {  	[sflag:s25] =	ssyncset.done $0x0  }
0x3f: {  	[sflag:s25] =	ssyncadd.s32 $0xFFFFF600  }
0x40: {  	_ =	swait.ge [sflag:s25], $0xA00  }
0x41: {  	[sflag:s25] =	ssyncset.done $0x0  }
0x42: {  	[sflag:s25] =	ssyncadd.s32 $0xFFFFF600  }
0x43: {  	_ =	swait.ge [sflag:s25], $0xA00  }
0x44: {  	[sflag:s25] =	ssyncset.done $0x0  }
0x45: {  	[sflag:s25] =	ssyncadd.s32 $0xFFFFF600  }
0x46: {  	_ =	swait.ge [sflag:s25], $0xC80  }
0x47: {  	[sflag:s25] =	ssyncset.done $0x0  }
0x48: {  	[sflag:s25] =	ssyncadd.s32 $0xFFFFF380  }
0x49: {  	_ =	swait.ge [sflag:s25], $0x20  }
0x4a: {  	[sflag:s25] =	ssyncset.done $0x0  }
0x4b: {  	[sflag:s25] =	ssyncadd.s32 $0xFFFFFFE0  }
0x4c: {  	v7 =	vimm.f32 $0.0e+00;
	s1 =	simm.s32 $0x0;
	s0 =	simm.s32 $0x0;
	v8 =	vld [tilespmem:$0x7200]  }
.LBB2_2:
0x4d: {  	s24 =	sadd.s32 $0x0, s0  }
0x4e: {  	v9 =	vadd.s32 s24, v1;
	_ =	sdelay $0x4  }
0x4f: {  	v13 =	vld.idx.msk [tilespmem:v9+s23+$0x0], $0xffff;
	_ =	sdelay $0x2  }
0x50: {  	s3 =	sadd.s32 $0x1, s0  }
0x51: {  	v10 =	vadd.s32 s3, v1;
	_ =	sdelay $0x3  }
0x52: {  	v11 =	vld.idx.msk [tilespmem:v13+s2+$0x0], $0xffff  }
0x53: {  	v10 =	vld.idx.msk [tilespmem:v10+s23+$0x0], $0xffff;
	_ =	sdelay $0x1  }
0x54: {  	s29 =	sadd.s32 $0x2, s0;
	v12 =	vimm.f32 $0.0e+00;
	s24 =	simm.s32 $0x3;
	v9 =	vimm.f32 $0.0e+00  }
.LBB2_3:
0x55: {  	p0 =	sne.s32 s24, $0x13;
	v14 =	vadd.s32 s29, v1;
	vm1 =	veq.s32 v13, $0x0  }
0x56: {  	v11 =	vsel vm1, $0x0, v11;
	v15 =	vsel vm1, $0x0, v2  }
0x57: {  	v13 =	vmov v10;
	v9 =	vadd.f32 v11, v9;
	v12 =	vadd.f32 v15, v12;
	_ =	sdelay $0x1  }
.Ltmp2:
0x58: {  	v11 =	vld.idx.msk [tilespmem:v10+s2+$0x0], $0xffff;
	(pc) =	sbr.rel @p0 .LBB2_3-.Ltmp2, $2  }
0x59: {  	v10 =	vld.idx.msk [tilespmem:v14+s23+$0x0], $0xffff;
	_ =	sdelay $0x2  }
0x5a: {  	s29 =	sadd.s32 s24, s0;
	s24 =	sadd.s32 $0x1, s24  }
0x5b: {  	v14 =	vadd.s32 s29, v1;
	_ =	sdelay $0x4  }
0x5c: {  	v14 =	vld.idx.msk [tilespmem:v14+s23+$0x0], $0xffff  }
0x5d: {  	vm1 =	veq.s32 v13, $0x0  }
0x5e: {  	v13 =	vsel vm1, $0x0, v2  }
0x5f: {  	vm2 =	veq.s32 v10, $0x0;
	v12 =	vadd.f32 v13, v12  }
0x60: {  	v61 =	vsel vm2, $0x0, v2  }
0x61: {  	v12 =	vadd.f32 v61, v12;
	vm3 =	veq.s32 v14, $0x0  }
0x62: {  	v62 =	vsel vm3, $0x0, v2  }
0x63: {  	v12 =	vadd.f32 v62, v12;
	_ =	sdelay $0x1  }
0x64: {  	v12 =	vmax.f32 v12, $1.000000000e+00  }
0x65: {  	v10 =	vld.idx.msk [tilespmem:v10+s2+$0x0], $0xffff;
	(erf) = vrcp.f32 v12  }
0x66: {  	v63 =	vld.idx.msk [tilespmem:v14+s2+$0x0], $0xffff;
	_ =	sdelay $0x1  }
0x67: {  	v11 =	vsel vm1, $0x0, v11  }
0x68: {  	v9 =	vadd.f32 v11, v9  }
0x69: {  	v10 =	vsel vm2, $0x0, v10  }
0x6a: {  	v9 =	vadd.f32 v10, v9;
	v10 =	vsel vm3, $0x0, v63;
	_ =	sdelay $0x1  }
0x6b: {  	v9 =	vadd.f32 v10, v9  }
0x6c: {  	v10 =	vpop (erf)  }
0x6d: {  	v9 =	vmul.f32 v10, v9;
	v10 =	vmov s1;
	s1 =	sadd.s32 $0x1, s1  }
0x6e: {  	p0 =	sne.s32 s1, $0x5  }
.Ltmp3:
0x6f: {  	_ = 	snop;
	(pc) =	sbr.rel @p0 .LBB2_2-.Ltmp3, $4  }
0x70: {  	_ = 	snop  }
0x71: {  	vm1 =	vlt.s32 v10, v8  }
0x72: {  	v9 =	vnsel vm1, $0x0, v9  }
0x73: {  	s0 =	sadd.s32 $0x14, s0;
	v7 =	vadd.f32 v9, v7  }
0x74: {  	v8 =	vcvt.s32.f32 v8;
	_ =	sdelay $0x1  }
0x75: {  	(erf) = vrcp.f32 v8;
	_ =	sdelay $0x8  }
0x76: {  	v8 =	vpop (erf)  }
0x77: {  	v7 =	vmul.f32 v7, v8;
	_ =	sdelay $0x1  }
0x78: {  	s0 =	simm.s32 $0x0;
	s1 =	simm.s32 $0x0;
	v8 =	vld [tilespmem:$0x7210];
	[tilespmem:$0x7280] =	vst v7;
	v7 =	vimm.f32 $0.0e+00  }
.LBB2_6:
0x79: {  	s24 =	sadd.s32 $0x0, s0  }
0x7a: {  	v9 =	vadd.s32 s24, v3;
	_ =	sdelay $0x4  }
0x7b: {  	v13 =	vld.idx.msk [tilespmem:v9+s23+$0x0], $0xffff;
	_ =	sdelay $0x2  }
0x7c: {  	s3 =	sadd.s32 $0x1, s0  }
0x7d: {  	v9 =	vadd.s32 s3, v3;
	_ =	sdelay $0x3  }
0x7e: {  	v11 =	vld.idx.msk [tilespmem:v13+s2+$0x0], $0xffff  }
0x7f: {  	v10 =	vld.idx.msk [tilespmem:v9+s23+$0x0], $0xffff;
	_ =	sdelay $0x1  }
0x80: {  	s29 =	sadd.s32 $0x2, s0;
	v12 =	vimm.f32 $0.0e+00;
	s24 =	simm.s32 $0x3;
	v9 =	vimm.f32 $0.0e+00  }
.LBB2_7:
0x81: {  	p0 =	sne.s32 s24, $0x13;
	v14 =	vadd.s32 s29, v3;
	vm1 =	veq.s32 v13, $0x0  }
0x82: {  	v11 =	vsel vm1, $0x0, v11;
	v15 =	vsel vm1, $0x0, v2  }
0x83: {  	v13 =	vmov v10;
	v9 =	vadd.f32 v11, v9;
	v12 =	vadd.f32 v15, v12;
	_ =	sdelay $0x1  }
.Ltmp4:
0x84: {  	v11 =	vld.idx.msk [tilespmem:v10+s2+$0x0], $0xffff;
	(pc) =	sbr.rel @p0 .LBB2_7-.Ltmp4, $2  }
0x85: {  	v10 =	vld.idx.msk [tilespmem:v14+s23+$0x0], $0xffff;
	_ =	sdelay $0x2  }
0x86: {  	s29 =	sadd.s32 s24, s0;
	s24 =	sadd.s32 $0x1, s24  }
0x87: {  	v14 =	vadd.s32 s29, v3;
	_ =	sdelay $0x4  }
0x88: {  	v14 =	vld.idx.msk [tilespmem:v14+s23+$0x0], $0xffff  }
0x89: {  	vm1 =	veq.s32 v13, $0x0  }
0x8a: {  	v13 =	vsel vm1, $0x0, v2  }
0x8b: {  	vm2 =	veq.s32 v10, $0x0;
	v12 =	vadd.f32 v13, v12  }
0x8c: {  	v61 =	vsel vm2, $0x0, v2  }
0x8d: {  	v12 =	vadd.f32 v61, v12;
	vm3 =	veq.s32 v14, $0x0  }
0x8e: {  	v62 =	vsel vm3, $0x0, v2  }
0x8f: {  	v12 =	vadd.f32 v62, v12;
	_ =	sdelay $0x1  }
0x90: {  	v12 =	vmax.f32 v12, $1.000000000e+00  }
0x91: {  	v10 =	vld.idx.msk [tilespmem:v10+s2+$0x0], $0xffff;
	(erf) = vrcp.f32 v12  }
0x92: {  	v63 =	vld.idx.msk [tilespmem:v14+s2+$0x0], $0xffff;
	_ =	sdelay $0x1  }
0x93: {  	v11 =	vsel vm1, $0x0, v11  }
0x94: {  	v9 =	vadd.f32 v11, v9  }
0x95: {  	v10 =	vsel vm2, $0x0, v10  }
0x96: {  	v9 =	vadd.f32 v10, v9;
	v10 =	vsel vm3, $0x0, v63;
	_ =	sdelay $0x1  }
0x97: {  	v9 =	vadd.f32 v10, v9  }
0x98: {  	v10 =	vpop (erf)  }
0x99: {  	v9 =	vmul.f32 v10, v9;
	v10 =	vmov s1;
	s1 =	sadd.s32 $0x1, s1  }
0x9a: {  	p0 =	sne.s32 s1, $0x5  }
.Ltmp5:
0x9b: {  	_ = 	snop;
	(pc) =	sbr.rel @p0 .LBB2_6-.Ltmp5, $4  }
0x9c: {  	_ = 	snop  }
0x9d: {  	vm1 =	vlt.s32 v10, v8  }
0x9e: {  	v9 =	vnsel vm1, $0x0, v9  }
0x9f: {  	s0 =	sadd.s32 $0x14, s0;
	v7 =	vadd.f32 v9, v7  }
0xa0: {  	v8 =	vcvt.s32.f32 v8;
	_ =	sdelay $0x1  }
0xa1: {  	(erf) = vrcp.f32 v8;
	_ =	sdelay $0x8  }
0xa2: {  	v8 =	vpop (erf)  }
0xa3: {  	v7 =	vmul.f32 v7, v8  }
0xa4: {  	[tilespmem:$0x7D00] =	vst v4  }
0xa5: {  	s1 =	simm.s32 $0x0;
	[tilespmem:$0x7290] =	vst v7  }
.LBB2_10:
0xa6: {  	s0 =	smul.u32 $0x140, s1;
	_ =	sdelay $0x1  }
0xa7: {  	s24 =	sadd.s32 $0x0, s0  }
0xa8: {  	v7 =	vadd.s32 s24, v5;
	_ =	sdelay $0x4  }
0xa9: {  	v8 =	vld.idx.msk [tilespmem:v7+s19+$0x0], $0xffff  }
0xaa: {  	s3 =	sadd.s32 $0x1, s0;
	v9 =	vld.idx.msk [tilespmem:v7+s18+$0x0], $0xffff  }
0xab: {  	v10 =	vadd.s32 s3, v5;
	_ =	sdelay $0x1  }
0xac: {  	s3 =	sadd.s32 $0x2, s0  }
0xad: {  	v11 =	vadd.s32 s3, v5;
	v8 =	vshll.u32 v8, $0x1  }
0xae: {  	v8 =	vadd.s32 v8, v9  }
0xaf: {  	v12 =	vld.idx.msk [tilespmem:v10+s19+$0x0], $0xffff;
	v8 =	vadd.s32 $0xFFFFFFFF, v8  }
0xb0: {  	v9 =	vld.idx.msk [tilespmem:v10+s18+$0x0], $0xffff  }
0xb1: {  	s3 =	sadd.s32 $0x3, s0;
	v7 =	vld.idx.msk [tilespmem:v7+s17+$0x0], $0xffff  }
0xb2: {  	v17 =	vadd.s32 s3, v5;
	v13 =	vld.idx.msk [tilespmem:v11+s18+$0x0], $0xffff  }
0xb3: {  	v14 =	vld.idx.msk [tilespmem:v11+s19+$0x0], $0xffff  }
0xb4: {  	v12 =	vshll.u32 v12, $0x1;
	v8 =	vld.idx.msk [tilespmem:v8+s16+$0x0], $0xffff  }
0xb5: {  	v9 =	vadd.s32 v12, v9  }
0xb6: {  	s3 =	sadd.s32 $0x4, s0;
	v12 =	vadd.s32 $0xFFFFFFFF, v9  }
0xb7: {  	v20 =	vld.idx.msk [tilespmem:v17+s19+$0x0], $0xffff;
	v9 =	vadd.s32 s3, v5  }
0xb8: {  	v19 =	vld.idx.msk [tilespmem:v10+s17+$0x0], $0xffff;
	vm1 =	vlt.s32 v7, $0x250F;
	v10 =	vshll.u32 v14, $0x1  }
0xb9: {  	v16 =	vld.idx.msk [tilespmem:v17+s18+$0x0], $0xffff;
	v10 =	vadd.s32 v10, v13;
	v8 =	vsel vm1, v7, v8  }
0xba: {  	v14 =	vld.idx.msk [tilespmem:v11+s17+$0x0], $0xffff;
	v13 =	vadd.s32 $0xFFFFFFFF, v10  }
0xbb: {  	s3 =	sadd.s32 $0x5, s0;
	v12 =	vld.idx.msk [tilespmem:v12+s16+$0x0], $0xffff  }
0xbc: {  	v11 =	vshll.u32 v20, $0x1;
	v20 =	vadd.s32 s3, v5;
	v15 =	vld.idx.msk [tilespmem:v9+s18+$0x0], $0xffff  }
0xbd: {  	v18 =	vld.idx.msk [tilespmem:v9+s19+$0x0], $0xffff  }
0xbe: {  	v21 =	vadd.s32 v11, v16;
	v10 =	vld.idx.msk [tilespmem:v8+s31+$0x0], $0xffff  }
0xbf: {  	v21 =	vadd.s32 $0xFFFFFFFF, v21;
	v16 =	vld.idx.msk [tilespmem:v13+s16+$0x0], $0xffff;
	v13 =	vimm.f32 $0.0e+00;
	vm1 =	vlt.s32 v19, $0x250F  }
0xc0: {  	s29 =	simm.s32 $0x6;
	v17 =	vld.idx.msk [tilespmem:v17+s17+$0x0], $0xffff;
	v7 =	vimm.f32 $0.0e+00;
	v11 =	vsel vm1, v19, v12;
	v12 =	vimm.f32 $0.0e+00;
	v19 =	vmovc v20  }
.LBB2_11:
0xc1: {  	s3 =	sadd.s32 s0, s29;
	v22 =	vmov v15;
	v15 =	vld.idx.msk [tilespmem:v20+s18+$0x0], $0xffff;
	p0 =	sne.s32 s29, $0x13  }
.Ltmp6:
0xc2: {  	s24 =	simm.s32 $0x0;
	vm1 =	veq.s32 v8, $0x0;
	v23 =	vmovc v18;
	v8 =	vmov v11;
	v18 =	vld.idx.msk [tilespmem:v20+s19+$0x0], $0xffff;
	v20 =	vadd.s32 s3, v5;
	(pc) =	sbr.rel @p0 .LBB2_11-.Ltmp6, $4  }
0xc3: {  	s29 =	sadd.s32 $0x1, s29;
	vm2 =	vlt.s32 v14, $0x250F;
	v23 =	vshll.u32 v23, $0x1;
	v24 =	vsel vm1, $0x0, v10;
	v10 =	vld.idx.msk [tilespmem:v11+s24+$0x0], $0xffff  }
0xc4: {  	v22 =	vadd.s32 v23, v22;
	v11 =	vsel vm2, v14, v16;
	v12 =	vadd.f32 v24, v12;
	v16 =	vld.idx.msk [tilespmem:v21+s16+$0x0], $0xffff  }
0xc5: {  	v21 =	vadd.s32 $0xFFFFFFFF, v22;
	v22 =	vsel vm1, $0x0, v2  }
0xc6: {  	v13 =	vadd.f32 v22, v13;
	v14 =	vmovc v17;
	v17 =	vld.idx.msk [tilespmem:v9+s17+$0x0], $0xffff;
	v9 =	vmov v19;
	v19 =	vmov v20  }
0xc7: {  	_ =	sdelay $0x3  }
0xc8: {  	v22 =	vld.idx.msk [tilespmem:v20+s19+$0x0], $0xffff  }
0xc9: {  	v52 =	vld.idx.msk [tilespmem:v20+s18+$0x0], $0xffff;
	_ =	sdelay $0x1  }
0xca: {  	v18 =	vshll.u32 v18, $0x1  }
0xcb: {  	v15 =	vadd.s32 v18, v15  }
0xcc: {  	v15 =	vadd.s32 $0xFFFFFFFF, v15;
	v53 =	vshll.u32 v22, $0x1  }
0xcd: {  	v18 =	vadd.s32 v53, v52  }
0xce: {  	v18 =	vadd.s32 $0xFFFFFFFF, v18  }
0xcf: {  	v54 =	vld.idx.msk [tilespmem:v21+s16+$0x0], $0xffff  }
0xd0: {  	v9 =	vld.idx.msk [tilespmem:v9+s17+$0x0], $0xffff  }
0xd1: {  	vm1 =	vlt.s32 v14, $0x250F;
	v15 =	vld.idx.msk [tilespmem:v15+s16+$0x0], $0xffff  }
0xd2: {  	v55 =	vld.idx.msk [tilespmem:v19+s17+$0x0], $0xffff;
	v14 =	vsel vm1, v14, v16  }
0xd3: {  	vm1 =	vlt.s32 v17, $0x250F;
	v18 =	vld.idx.msk [tilespmem:v18+s16+$0x0], $0xffff  }
0xd4: {  	v17 =	vsel vm1, v17, v54  }
0xd5: {  	v56 =	vld.idx.msk [tilespmem:v11+s24+$0x0], $0xffff;
	vm1 =	vlt.s32 v9, $0x250F  }
0xd6: {  	v9 =	vsel vm1, v9, v15  }
0xd7: {  	vm2 =	vlt.s32 v55, $0x250F;
	vm1 =	veq.s32 v8, $0x0;
	v8 =	vld.idx.msk [tilespmem:v14+s24+$0x0], $0xffff  }
0xd8: {  	v10 =	vsel vm1, $0x0, v10;
	v57 =	vsel vm1, $0x0, v2;
	v16 =	vsel vm2, v55, v18  }
0xd9: {  	vm1 =	veq.s32 v11, $0x0;
	v11 =	vld.idx.msk [tilespmem:v17+s24+$0x0], $0xffff;
	v10 =	vadd.f32 v10, v12;
	v58 =	vadd.f32 v57, v13  }
0xda: {  	v59 =	vsel vm1, $0x0, v56;
	v60 =	vsel vm1, $0x0, v2  }
0xdb: {  	vm1 =	veq.s32 v14, $0x0;
	v10 =	vadd.f32 v59, v10;
	v12 =	vadd.f32 v60, v58;
	v61 =	vld.idx.msk [tilespmem:v9+s24+$0x0], $0xffff  }
0xdc: {  	v14 =	vsel vm1, $0x0, v2;
	v8 =	vsel vm1, $0x0, v8  }
0xdd: {  	vm1 =	veq.s32 v17, $0x0;
	v8 =	vadd.f32 v8, v10;
	v10 =	vadd.f32 v14, v12;
	v62 =	vld.idx.msk [tilespmem:v16+s24+$0x0], $0xffff  }
0xde: {  	p5 =	por $0x1, $0x1;
	v11 =	vsel vm1, $0x0, v11;
	v63 =	vsel vm1, $0x0, v2  }
.Ltmp7:
0xdf: {  	vm1 =	veq.s32 v9, $0x0;
	v8 =	vadd.f32 v11, v8;
	v10 =	vadd.f32 v63, v10;
	(pc) =	sbr.rel @!p5 .LBB2_13-.Ltmp7, $4  }
0xe0: {  	v11 =	vsel vm1, $0x0, v2;
	v9 =	vsel vm1, $0x0, v61  }
0xe1: {  	vm1 =	veq.s32 v16, $0x0;
	v8 =	vadd.f32 v9, v8;
	v9 =	vadd.f32 v11, v10  }
0xe2: {  	s3 =	sadd.s32 $0x0, s0;
	p0 =	por $0x0, $0x0;
	p1 =	por $0x0, $0x0;
	v11 =	vsel vm1, $0x0, v2;
	v10 =	vsel vm1, $0x0, v62  }
0xe3: {  	p2 =	por $0x0, $0x0;
	p3 =	por $0x0, $0x0;
	p4 =	por $0x0, $0x0;
	v9 =	vadd.f32 v11, v9;
	v8 =	vadd.f32 v10, v8;
	v10 =	vadd.s32 s3, v5  }
0xe4: {  	p5 =	por $0x1, $0x1  }
.Ltmp8:
0xe5: {  	_ = 	snop;
	(pc) =	sbr.rel @!p5 .LBB2_15-.Ltmp8, $3  }
0xe6: {  	_ =	sdelay $0x1  }
0xe7: {  	s3 =	sadd.s32 $0x1, s0;
	v11 =	vld.idx.msk [tilespmem:v10+s21+$0x0], $0xffff  }
0xe8: {  	v14 =	vld.idx.msk [tilespmem:v10+s22+$0x0], $0xffff;
	p0 =	por $0x1, $0x1;
	v20 =	vadd.s32 s3, v5  }
0xe9: {  	_ = 	snop  }
0xea: {  	p5 =	por $0x1, $0x1  }
.Ltmp9:
0xeb: {  	_ = 	snop;
	(pc) =	sbr.rel @!p5 .LBB2_17-.Ltmp9, $4  }
0xec: {  	_ = 	snop  }
0xed: {  	v13 =	vld.idx.msk [tilespmem:v20+s21+$0x0], $0xffff;
	v12 =	vshll.u32 v14, $0x1  }
0xee: {  	s3 =	sadd.s32 $0x2, s0;
	v15 =	vld.idx.msk [tilespmem:v20+s22+$0x0], $0xffff;
	v11 =	vadd.s32 v12, v11  }
0xef: {  	p1 =	por $0x1, $0x1;
	v25 =	vadd.s32 s3, v5;
	v12 =	vld.idx.msk [tilespmem:v10+s20+$0x0], $0xffff;
	v18 =	vadd.s32 $0xFFFFFFFF, v11  }
0xf0: {  	_ =	sdelay $0x1  }
0xf1: {  	p5 =	por $0x1, $0x1  }
.Ltmp10:
0xf2: {  	_ = 	snop;
	(pc) =	sbr.rel @!p5 .LBB2_19-.Ltmp10, $4  }
0xf3: {  	v11 =	vld.idx.msk [tilespmem:v25+s21+$0x0], $0xffff  }
0xf4: {  	v14 =	vld.idx.msk [tilespmem:v25+s22+$0x0], $0xffff;
	v10 =	vshll.u32 v15, $0x1  }
0xf5: {  	s3 =	sadd.s32 $0x3, s0;
	v16 =	vld.idx.msk [tilespmem:v18+s16+$0x0], $0xffff;
	v13 =	vadd.s32 v10, v13  }
0xf6: {  	v20 =	vld.idx.msk [tilespmem:v20+s20+$0x0], $0xffff;
	p2 =	por $0x1, $0x1;
	v10 =	vadd.s32 s3, v5;
	v18 =	vadd.s32 $0xFFFFFFFF, v13  }
0xf7: {  	_ =	sdelay $0x1  }
0xf8: {  	p5 =	por $0x1, $0x1  }
.Ltmp11:
0xf9: {  	_ = 	snop;
	(pc) =	sbr.rel @!p5 .LBB2_21-.Ltmp11, $4  }
0xfa: {  	v15 =	vld.idx.msk [tilespmem:v10+s21+$0x0], $0xffff  }
0xfb: {  	v13 =	vld.idx.msk [tilespmem:v10+s22+$0x0], $0xffff;
	v14 =	vshll.u32 v14, $0x1  }
0xfc: {  	s3 =	sadd.s32 $0x4, s0;
	vm1 =	vlt.s32 v12, $0x250F;
	v23 =	vld.idx.msk [tilespmem:v18+s16+$0x0], $0xffff;
	v11 =	vadd.s32 v14, v11  }
0xfd: {  	v25 =	vld.idx.msk [tilespmem:v25+s20+$0x0], $0xffff;
	p3 =	por $0x1, $0x1;
	v30 =	vadd.s32 s3, v5;
	v22 =	vsel vm1, v12, v16;
	v28 =	vadd.s32 $0xFFFFFFFF, v11  }
0xfe: {  	_ =	sdelay $0x2  }
0xff: {  	s3 =	sadd.s32 $0x5, s0;
	p5 =	por $0x1, $0x1  }
.Ltmp12:
0x100: {  	v11 =	vld.idx.msk [tilespmem:v30+s21+$0x0], $0xffff;
	v17 =	vadd.s32 s3, v5;
	(pc) =	sbr.rel @!p5 .LBB2_23-.Ltmp12, $4  }
0x101: {  	v14 =	vld.idx.msk [tilespmem:v30+s22+$0x0], $0xffff;
	v18 =	vshll.u32 v13, $0x1  }
0x102: {  	v13 =	vld.idx.msk [tilespmem:v22+s2+$0x0], $0xffff;
	v18 =	vadd.s32 v18, v15  }
0x103: {  	vm1 =	vlt.s32 v20, $0x250F;
	v26 =	vld.idx.msk [tilespmem:v28+s16+$0x0], $0xffff;
	v21 =	vmov v22;
	v18 =	vadd.s32 $0xFFFFFFFF, v18  }
0x104: {  	v24 =	vld.idx.msk [tilespmem:v10+s20+$0x0], $0xffff;
	s24 =	simm.s32 $0x6;
	p4 =	por $0x1, $0x1;
	v19 =	vimm.f32 $0.0e+00;
	v29 =	vimm.f32 $0.0e+00;
	v10 =	vmovc v17;
	v15 =	vsel vm1, v20, v23;
	v27 =	vmovc v25  }
.LBB2_24:
0x105: {  	s3 =	sadd.s32 s0, s24;
	v31 =	vmov v11;
	v11 =	vld.idx.msk [tilespmem:v17+s21+$0x0], $0xffff;
	p5 =	sne.s32 s24, $0x13  }
.Ltmp13:
0x106: {  	vm1 =	veq.s32 v21, $0x0;
	v32 =	vmovc v14;
	v21 =	vmov v15;
	v14 =	vld.idx.msk [tilespmem:v17+s22+$0x0], $0xffff;
	v17 =	vadd.s32 s3, v5;
	(pc) =	sbr.rel @p5 .LBB2_24-.Ltmp13, $4  }
0x107: {  	s24 =	sadd.s32 $0x1, s24;
	vm2 =	vlt.s32 v27, $0x250F;
	v32 =	vshll.u32 v32, $0x1;
	v33 =	vsel vm1, $0x0, v13;
	v13 =	vld.idx.msk [tilespmem:v15+s2+$0x0], $0xffff  }
0x108: {  	v31 =	vadd.s32 v32, v31;
	v15 =	vsel vm2, v27, v26;
	v19 =	vadd.f32 v33, v19;
	v26 =	vld.idx.msk [tilespmem:v18+s16+$0x0], $0xffff  }
0x109: {  	v18 =	vadd.s32 $0xFFFFFFFF, v31;
	v31 =	vsel vm1, $0x0, v2  }
0x10a: {  	v29 =	vadd.f32 v31, v29;
	v27 =	vmovc v24;
	v24 =	vld.idx.msk [tilespmem:v30+s20+$0x0], $0xffff;
	v30 =	vmov v10;
	v10 =	vmov v17  }
0x10b: {  	v31 =	vmov v30  }
.LBB2_26:
0x10c: {  	_ =	sdelay $0x2  }
0x10d: {  	v14 =	vshll.u32 @p0 v14, $0x1  }
0x10e: {  	v59 =	vld.idx.msk [tilespmem:v17+s22+$0x0], $0xffff;
	v11 =	vadd.s32 @p0 v14, v11  }
0x10f: {  	v18 =	vld.idx.msk @p1 [tilespmem:v18+s16+$0x0], $0xffff;
	v11 =	vadd.s32 @p0 $0xFFFFFFFF, v11  }
0x110: {  	v60 =	vld.idx.msk [tilespmem:v17+s21+$0x0], $0xffff;
	v11 =	vpsel p0, v11, v28  }
0x111: {  	vm1 =	veq.s32 @p4 v21, $0x0;
	vm2 =	vlt.s32 @p2 v27, $0x250F;
	v28 =	vld.idx.msk @p0 [tilespmem:v31+s20+$0x0], $0xffff  }
0x112: {  	v21 =	vmov @p3 v15;
	v30 =	vsel @p4 vm1, $0x0, v2;
	v26 =	vsel @p2 vm2, v27, v26  }
0x113: {  	v21 =	vpsel p3, v21, v0;
	v27 =	vadd.f32 @p4 v30, v29;
	v22 =	vpsel p2, v26, v22  }
0x114: {  	vm2 =	veq.s32 @p3 v21, $0x0;
	v20 =	vpsel p1, v24, v20;
	v17 =	vmovc @p2 v22;
	v14 =	vshll.u32 v59, $0x1  }
0x115: {  	vm3 =	vlt.s32 @p1 v20, $0x250F;
	v17 =	vpsel p2, v17, v0;
	v14 =	vadd.s32 v14, v60;
	v11 =	vld.idx.msk @p0 [tilespmem:v11+s16+$0x0], $0xffff  }
0x116: {  	v18 =	vpsel p1, v18, v23;
	v14 =	vadd.s32 $0xFFFFFFFF, v14;
	v24 =	vpsel p0, v28, v25  }
0x117: {  	v23 =	vpsel p4, v27, v7;
	v18 =	vsel @p1 vm3, v20, v18;
	v20 =	vsel @p3 vm2, $0x0, v2;
	v21 =	vmovc @p0 v24  }
0x118: {  	v13 =	vsel @p4 vm1, $0x0, v13;
	v20 =	vadd.f32 @p3 v20, v23;
	v12 =	vpsel p0, v21, v12  }
0x119: {  	v15 =	vld.idx.msk @p3 [tilespmem:v15+s2+$0x0], $0xffff;
	vm4 =	veq.s32 @p2 v17, $0x0;
	v18 =	vpsel p1, v18, v0;
	vm3 =	vlt.s32 @p0 v12, $0x250F  }
0x11a: {  	v10 =	vld.idx.msk [tilespmem:v10+s20+$0x0], $0xffff;
	v17 =	vmovc @p1 v18;
	v11 =	vpsel p0, v11, v16;
	v16 =	vpsel p3, v20, v7;
	v20 =	vsel @p2 vm4, $0x0, v2  }
0x11b: {  	v14 =	vld.idx.msk [tilespmem:v14+s16+$0x0], $0xffff;
	v11 =	vsel @p0 vm3, v12, v11;
	v12 =	vadd.f32 @p2 v20, v16;
	v16 =	vpsel p1, v17, v0  }
0x11c: {  	v13 =	vadd.f32 @p4 v13, v19;
	vm3 =	veq.s32 @p1 v16, $0x0  }
0x11d: {  	v11 =	vpsel p0, v11, v0;
	v12 =	vpsel p2, v12, v7;
	v17 =	vsel @p1 vm3, $0x0, v2  }
0x11e: {  	v16 =	vmov @p0 v11;
	v12 =	vadd.f32 @p1 v17, v12;
	v17 =	vld.idx.msk @p2 [tilespmem:v22+s2+$0x0], $0xffff  }
0x11f: {  	v13 =	vpsel p4, v13, v7;
	vm5 =	vlt.s32 v10, $0x250F;
	v16 =	vpsel p0, v16, v0  }
0x120: {  	v10 =	vsel vm5, v10, v14;
	v14 =	vpsel p3, v15, v0;
	vm1 =	veq.s32 @p0 v16, $0x0  }
0x121: {  	v14 =	vsel @p3 vm2, $0x0, v14;
	v12 =	vpsel p1, v12, v7;
	v16 =	vsel @p0 vm1, $0x0, v2  }
0x122: {  	v15 =	vld.idx.msk @p1 [tilespmem:v18+s2+$0x0], $0xffff;
	vm2 =	veq.s32 v10, $0x0;
	v13 =	vadd.f32 @p3 v14, v13;
	v12 =	vadd.f32 @p0 v16, v12  }
0x123: {  	v61 =	vsel vm2, $0x0, v2;
	v16 =	vpsel p2, v17, v0  }
0x124: {  	v11 =	vld.idx.msk @p0 [tilespmem:v11+s2+$0x0], $0xffff;
	v13 =	vpsel p3, v13, v7;
	v12 =	vpsel p0, v12, v7;
	v14 =	vsel @p2 vm4, $0x0, v16  }
0x125: {  	v9 =	vmax.f32 v9, $1.000000000e+00;
	v12 =	vadd.f32 v61, v12;
	v13 =	vadd.f32 @p2 v14, v13  }
0x126: {  	(erf) = vrcp.f32 v9  }
0x127: {  	s3 =	sshll.u32 s1, $0x4;
	v9 =	vmax.f32 v12, $1.000000000e+00;
	v12 =	vpsel p1, v15, v0;
	v13 =	vpsel p2, v13, v7  }
0x128: {  	(erf) = vrcp.f32 v9;
	v9 =	vmov s3;
	v12 =	vsel @p1 vm3, $0x0, v12  }
0x129: {  	v10 =	vld.idx.msk [tilespmem:v10+s2+$0x0], $0xffff;
	v11 =	vpsel p0, v11, v0;
	vm3 =	veq.s32 v9, v0;
	v9 =	vadd.f32 @p1 v12, v13  }
0x12a: {  	v62 =	vor.u32 s3, v0;
	v11 =	vsel @p0 vm1, $0x0, v11;
	vm3 =	vmand vm3, vm0  }
0x12b: {  	v12 =	vshrl.u32 v62, $0x2;
	v63 =	vsel vm3, $0xFFFFFFFF, v6;
	v9 =	vpsel p1, v9, v7  }
0x12c: {  	v12 =	vadd.s32 v63, v12;
	v9 =	vadd.f32 @p0 v11, v9;
	_ =	sdelay $0x1  }
0x12d: {  	v7 =	vpsel p0, v9, v7;
	v9 =	vsel vm2, $0x0, v10;
	_ =	sdelay $0x1  }
0x12e: {  	v10 =	vpop (erf);
	v7 =	vadd.f32 v9, v7  }
0x12f: {  	v9 =	vpop (erf);
	v11 =	vld.idx.msk [tilespmem:v12+s26+$0x0], $0xffff  }
0x130: {  	v8 =	vmul.f32 v10, v8;
	v7 =	vmul.f32 v9, v7  }
0x131: {  	v9 =	vld [tilespmem:$0x7D00]  }
0x132: {  	v7 =	vsub.f32 v8, v7;
	_ =	sdelay $0x1  }
0x133: {  	v7 =	vmul.f32 v11, v7;
	_ =	sdelay $0x1  }
0x134: {  	v8 =	vadd.f32 v7, v9  }
0x135: {  	s29 =	sadd.s32 $0x0, s0  }
0x136: {  	s24 =	simm.s32 $0x1;
	[tilespmem:$0x7D00] =	vst v8;
	v8 =	vadd.s32 s29, v5  }
.LBB2_27:
0x137: {  	p0 =	sne.s32 s24, $0x13  }
.Ltmp14:
0x138: {  	_ = 	snop;
	(pc) =	sbr.rel @p0 .LBB2_27-.Ltmp14, $3  }
0x139: {  	_ =	sdelay $0x1  }
0x13a: {  	s3 =	sadd.s32 s0, s24;
	s24 =	sadd.s32 $0x1, s24;
	[tilespmem:v8+s28+$0x0] =	vst.idx.msk $0xffff, v7  }
0x13b: {  	v8 =	vadd.s32 s3, v5  }
0x13c: {  	s1 =	sadd.s32 $0x1, s1  }
0x13d: {  	p0 =	sne.s32 s1, $0x8  }
.Ltmp15:
0x13e: {  	_ = 	snop;
	(pc) =	sbr.rel @p0 .LBB2_10-.Ltmp15, $4  }
.Ltmp16:
0x13f: {  	_ = 	snop;
	(pc) =	sbr.rel @!p0 .LBB2_29-.Ltmp16, $4  }
0x140: {  	_ = 	snop  }
0x141: {  	_ = 	snop  }
0x142: {  	[tilespmem:v8+s28+$0x0] =	vst.idx.msk $0xffff, v7  }
0x143: {  	_ = 	snop  }
.LBB2_13:
.Ltmp17:
0x144: {  	(pc) =	sbr.rel .LBB2_26-.Ltmp17, $2  }
0x145: {  	_ =	sdelay $0x2  }
0x146: {  	v17 =	vmov v10;
	v19 =	vimm.f32 $0.0e+00;
	v29 =	vimm.f32 $0.0e+00  }
.LBB2_15:
.Ltmp18:
0x147: {  	(pc) =	sbr.rel .LBB2_26-.Ltmp18, $2  }
0x148: {  	_ =	sdelay $0x2  }
0x149: {  	v31 =	vmovc v10;
	v17 =	vmovc v20;
	v19 =	vimm.f32 $0.0e+00;
	v29 =	vimm.f32 $0.0e+00;
	v10 =	vmov v20  }
.LBB2_17:
.Ltmp19:
0x14a: {  	_ = 	snop;
	(pc) =	sbr.rel .LBB2_26-.Ltmp19, $3  }
0x14b: {  	_ =	sdelay $0x1  }
0x14c: {  	v17 =	vmov v25;
	v19 =	vimm.f32 $0.0e+00;
	v31 =	vmov v20  }
0x14d: {  	v29 =	vimm.f32 $0.0e+00;
	v10 =	vmovc v25;
	v11 =	vmovc v13;
	v14 =	vmov v15;
	v24 =	vmov v12  }
.LBB2_19:
.Ltmp20:
0x14e: {  	_ = 	snop;
	(pc) =	sbr.rel .LBB2_26-.Ltmp20, $3  }
0x14f: {  	_ =	sdelay $0x1  }
0x150: {  	v17 =	vmov v10;
	v27 =	vmov v12  }
0x151: {  	v19 =	vimm.f32 $0.0e+00;
	v31 =	vmovc v25;
	v29 =	vimm.f32 $0.0e+00;
	v26 =	vmovc v16;
	v24 =	vmov v20  }
.LBB2_21:
.Ltmp21:
0x152: {  	_ = 	snop;
	(pc) =	sbr.rel .LBB2_26-.Ltmp21, $4  }
0x153: {  	_ = 	snop  }
0x154: {  	v31 =	vmov v10;
	v17 =	vmov v30  }
0x155: {  	v27 =	vmovc v20;
	v18 =	vmovc v28;
	v19 =	vimm.f32 $0.0e+00;
	v29 =	vimm.f32 $0.0e+00;
	v10 =	vmov v30  }
0x156: {  	v11 =	vmovc v15;
	v15 =	vmovc v22;
	v14 =	vmov v13;
	v26 =	vmov v23;
	v24 =	vmov v25  }
.LBB2_23:
.Ltmp22:
0x157: {  	(pc) =	sbr.rel .LBB2_26-.Ltmp22, $3  }
0x158: {  	_ =	sdelay $0x1  }
0x159: {  	v21 =	vmov v22  }
0x15a: {  	v27 =	vmovc v25;
	v19 =	vimm.f32 $0.0e+00;
	v31 =	vmovc v30;
	v29 =	vimm.f32 $0.0e+00;
	v10 =	vmov v17  }
.LBB2_30:
0x15b: {  	_ =	sfence.sel $0x180000  }
0x15c: {  	[bflag:$0x0] =	sbarrier.arrive $0xFFFF  }
0x15d: {  	_ =	strace $0x90000047  }
0x15e: {  	s0 =	stileid.u32;
	[bflag:$0x2] =	sbarrier.arrive $0xFFFF  }
0x15f: {  	p0 =	sne.s32 s0, $0x0;
	s0 =	rddreg [dreg:$0x3]  }
0x160: {  	s0 =	sadd.s32 @!p0 $0x100000, s0  }
0x161: {  	[sflag:s0] =	ssyncadd.tile.s32 @!p0 $0x1;
	_ =	shalt  }
.Lfunc_end2:
_tile_overlayer_lowered:
.L_overlay_start_2:
0x162: {  	(tag) =	ssettag $0x2  }
0x163: {  	s0 =	rddreg [dreg:$0x0];
	s2 =	stileid.u32  }
0x164: {  	s1 =	rddreg [dreg:$0x1];
	p0 =	sne.s32 s2, $0x0  }
0x165: {  	s3 =	rddreg [dreg:$0x2];
	[bflag:$0x3] =	sbarrier.arrive $0xFFFF;
	s2 =	simm.s32 @!p0 $0x1C02  }
0x166: {  	[timem:s3], [sflag:s2] =	dma.local @!p0 [hbm:s0], s1  }
0x167: {  	s0 =	simm.s32 @!p0 $0x2  }
0x168: {  	_ =	swait.ge @!p0 [sflag:s0], s1  }
0x169: {  	s1 =	ssub.s32 @!p0 $0x0, s1;
	[sflag:s0] =	ssyncset.done @!p0 $0x0  }
0x16a: {  	[sflag:s0] =	ssyncadd.s32 @!p0 s1  }
0x16b: {  	[bflag:$0x3] =	sbarrier.arrive $0xFFFF  }
0x16c: {  	_ =	shalt  }

</sc_bundles>
